<compile_context>
chip_gen: v7x
topology: tpu7x:2x2x1
jax: 0.10.2.dev20260603
libtpu: 0.0.44.dev20260713+nightly
codegen_flags: <defaults>
</compile_context>

<pallas_src>
import functools

import jax
import jax.numpy as jnp
from jax import lax
from jax.experimental import pallas as pl
from jax.experimental.pallas import tpu as pltpu
from jax.experimental.pallas import tpu_sc as plsc

N = 10000
E = 160000
D_IN = 256
H = 256
EMB = 128
B = 4096

NC, NS = 2, 16
NW = NC * NS
CHUNK = 96
E_PAD = 165888
PC_W = E_PAD // NW // CHUNK
PC_S = E_PAD // NS // CHUNK
HALF = PC_S // 2
N_ACC = 10112
RZ = N_ACC // NS

_sc_mesh = plsc.VectorSubcoreMesh(core_axis_name="c", subcore_axis_name="s")


@functools.partial(
    pl.kernel,
    out_type=jax.ShapeDtypeStruct((NC, N_ACC, 128), jnp.float32),
    name="sc_deg",
    mesh=_sc_mesh,
    scratch_types=[
        pltpu.VMEM((PC_W, CHUNK), jnp.int32),
        pltpu.VMEM((CHUNK, 128), jnp.float32),
        pltpu.VMEM_SHARED((N_ACC, 128), jnp.float32),
        pltpu.SemaphoreType.DMA,
    ],
)
def _deg_kernel(dst_hbm, ones_hbm, zeros_hbm, deg_out, idx_d, ones_v, deg_sh, sem):
    c = lax.axis_index("c")
    s = lax.axis_index("s")
    pltpu.sync_copy(zeros_hbm.at[pl.ds(s * RZ, RZ)], deg_sh.at[pl.ds(s * RZ, RZ)])
    pltpu.sync_copy(ones_hbm, ones_v)
    pltpu.sync_copy(dst_hbm.at[c * NS + s], idx_d)
    plsc.subcore_barrier()

    def body(j, _):
        pltpu.sync_copy(ones_v, deg_sh.at[idx_d.at[j]], add=True)
        return 0

    lax.fori_loop(0, PC_W, body, 0)
    plsc.subcore_barrier()
    pltpu.sync_copy(deg_sh.at[pl.ds(s * RZ, RZ)], deg_out.at[c, pl.ds(s * RZ, RZ)])


def _pipelined_msg(gtab_hbm, idx_s, idx_d, rows0, rows1, acc_sh, sem0, sem1,
                   nchunks):
    pltpu.async_copy(gtab_hbm.at[idx_s.at[0]], rows0, sem0)

    def body(jj, _):
        j0 = 2 * jj
        j1 = j0 + 1
        pltpu.async_copy(gtab_hbm.at[idx_s.at[j1]], rows1, sem1)
        pltpu.make_async_copy(gtab_hbm.at[idx_s.at[j0]], rows0, sem0).wait()
        pltpu.sync_copy(rows0, acc_sh.at[idx_d.at[j0]], add=True)

        @pl.when(j0 + 2 < nchunks)
        def _():
            pltpu.async_copy(gtab_hbm.at[idx_s.at[j0 + 2]], rows0, sem0)

        pltpu.make_async_copy(gtab_hbm.at[idx_s.at[j1]], rows1, sem1).wait()
        pltpu.sync_copy(rows1, acc_sh.at[idx_d.at[j1]], add=True)
        return 0

    lax.fori_loop(0, nchunks // 2, body, 0)


@functools.partial(
    pl.kernel,
    out_type=jax.ShapeDtypeStruct((NC, N_ACC, EMB), jnp.float32),
    name="sc_msg1",
    mesh=_sc_mesh,
    scratch_types=[
        pltpu.VMEM((HALF, CHUNK), jnp.int32),
        pltpu.VMEM((HALF, CHUNK), jnp.int32),
        pltpu.VMEM((CHUNK, EMB), jnp.float32),
        pltpu.VMEM((CHUNK, EMB), jnp.float32),
        pltpu.VMEM_SHARED((N_ACC, EMB), jnp.float32),
        pltpu.SemaphoreType.DMA,
        pltpu.SemaphoreType.DMA,
    ],
)
def _msg1_kernel(gtab_hbm, src_hbm, dst_hbm, zeros_hbm, acc_out,
                 idx_s, idx_d, rows0, rows1, acc_sh, sem0, sem1):
    c = lax.axis_index("c")
    s = lax.axis_index("s")
    pltpu.sync_copy(zeros_hbm.at[pl.ds(s * RZ, RZ)], acc_sh.at[pl.ds(s * RZ, RZ)])
    plsc.subcore_barrier()
    for ph in range(2):
        pltpu.sync_copy(src_hbm.at[c, s, ph], idx_s)
        pltpu.sync_copy(dst_hbm.at[s, ph], idx_d)
        _pipelined_msg(gtab_hbm, idx_s, idx_d, rows0, rows1, acc_sh, sem0, sem1,
                       HALF)
    plsc.subcore_barrier()
    pltpu.sync_copy(acc_sh.at[pl.ds(s * RZ, RZ)], acc_out.at[c, pl.ds(s * RZ, RZ)])


@functools.partial(
    pl.kernel,
    out_type=jax.ShapeDtypeStruct((NC, N_ACC, EMB), jnp.float32),
    name="sc_msg2",
    mesh=_sc_mesh,
    scratch_types=[
        pltpu.VMEM((PC_W, CHUNK), jnp.int32),
        pltpu.VMEM((PC_W, CHUNK), jnp.int32),
        pltpu.VMEM((CHUNK, EMB), jnp.float32),
        pltpu.VMEM((CHUNK, EMB), jnp.float32),
        pltpu.VMEM_SHARED((N_ACC, EMB), jnp.float32),
        pltpu.SemaphoreType.DMA,
        pltpu.SemaphoreType.DMA,
    ],
)
def _msg2_kernel(gtab_hbm, src_hbm, dst_hbm, zeros_hbm, acc_out,
                 idx_s, idx_d, rows0, rows1, acc_sh, sem0, sem1):
    c = lax.axis_index("c")
    s = lax.axis_index("s")
    w = c * NS + s
    pltpu.sync_copy(zeros_hbm.at[pl.ds(s * RZ, RZ)], acc_sh.at[pl.ds(s * RZ, RZ)])
    pltpu.sync_copy(src_hbm.at[w], idx_s)
    pltpu.sync_copy(dst_hbm.at[w], idx_d)
    plsc.subcore_barrier()
    _pipelined_msg(gtab_hbm, idx_s, idx_d, rows0, rows1, acc_sh, sem0, sem1, PC_W)
    plsc.subcore_barrier()
    pltpu.sync_copy(acc_sh.at[pl.ds(s * RZ, RZ)], acc_out.at[c, pl.ds(s * RZ, RZ)])


_BG = B // NW


@functools.partial(
    pl.kernel,
    out_type=jax.ShapeDtypeStruct((B, EMB), jnp.float32),
    name="sc_gather",
    mesh=_sc_mesh,
    scratch_types=[
        pltpu.VMEM((_BG,), jnp.int32),
        pltpu.VMEM((_BG, EMB), jnp.float32),
        pltpu.SemaphoreType.DMA,
    ],
)
def _gather_kernel(emb_hbm, idx_hbm, out_hbm, idx_v, rows_v, sem):
    c = lax.axis_index("c")
    s = lax.axis_index("s")
    w = c * NS + s
    pltpu.sync_copy(idx_hbm.at[pl.ds(w * _BG, _BG)], idx_v)
    pltpu.async_copy(emb_hbm.at[idx_v], rows_v, sem).wait()
    pltpu.sync_copy(rows_v, out_hbm.at[pl.ds(w * _BG, _BG)])


_RB = 2000


def _dis_from_degs(degs_ref):
    deg = degs_ref[0, :, 0:1] + degs_ref[1, :, 0:1] + 1.0
    return lax.rsqrt(deg)


def _tc_l1_body(x_ref, w1_ref, degs_ref, out_ref, dis_ref):
    dis = _dis_from_degs(degs_ref)
    h = jnp.dot(x_ref[...], w1_ref[...], preferred_element_type=jnp.float32)
    g = h * dis
    out_ref[0] = g[:, :EMB]
    out_ref[1] = g[:, EMB:]
    dis_ref[...] = jnp.broadcast_to(dis, (dis.shape[0], 8))


def _tc_l2_body(acc_ref, g_ref, dis8_ref, b1_ref, w2_ref, out_ref):
    dis = dis8_ref[:, 0:1]
    o0 = jnp.maximum(dis * (acc_ref[0] + g_ref[0]) + b1_ref[0, :EMB], 0.0)
    o1 = jnp.maximum(dis * (acc_ref[1] + g_ref[1]) + b1_ref[0, EMB:], 0.0)
    h2 = (jnp.dot(o0, w2_ref[:EMB, :], preferred_element_type=jnp.float32)
          + jnp.dot(o1, w2_ref[EMB:, :], preferred_element_type=jnp.float32))
    out_ref[...] = h2 * dis


def _tc_emb_body(acc_ref, g_ref, dis8_ref, b2_ref, out_ref):
    dis = dis8_ref[:, 0:1]
    out_ref[...] = dis * (acc_ref[0] + acc_ref[1] + g_ref[...]) + b2_ref[...]


_MB = 2048


def _tc_mlp_body(x_ref, sk_ref, ow1_ref, ob1_ref, ow2_ref, ob2_ref,
                 mw1_ref, mb1_ref, mw2_ref, mb2_ref, mw3_ref, mb3_ref, out_ref):
    o = jnp.maximum(
        jnp.dot(x_ref[...], ow1_ref[...], preferred_element_type=jnp.float32)
        + ob1_ref[...], 0.0)
    occ = jnp.dot(o, ow2_ref[...], preferred_element_type=jnp.float32) + ob2_ref[...]
    z = (jnp.dot(occ, mw1_ref[:EMB, :], preferred_element_type=jnp.float32)
         + jnp.dot(sk_ref[...], mw1_ref[EMB:, :], preferred_element_type=jnp.float32)
         + mb1_ref[...])
    z = jnp.maximum(z, 0.0)
    z = jnp.maximum(
        jnp.dot(z, mw2_ref[...], preferred_element_type=jnp.float32) + mb2_ref[...],
        0.0)
    out_ref[...] = jax.nn.sigmoid(
        jnp.dot(z, mw3_ref[...], preferred_element_type=jnp.float32) + mb3_ref[...])


def _row_block(*dims):
    shape = dims
    nlead = len(dims) - 2

    def imap(i):
        return (0,) * nlead + (i,) + (0,)

    return pl.BlockSpec(shape, imap)


def _full(shape):
    return pl.BlockSpec(shape, lambda i: (0,) * len(shape))


def kernel(occupation_features, skill_idx, node_x, edge_index,
           gcn_w1, gcn_b1, gcn_w2, gcn_b2,
           occ_w1, occ_b1, occ_w2, occ_b2,
           mp_w1, mp_b1, mp_w2, mp_b2, mp_w3, mp_b3):
    src = edge_index[0].astype(jnp.int32)
    dst = edge_index[1].astype(jnp.int32)
    pad = E_PAD - E
    ar = jnp.arange(pad, dtype=jnp.int32)
    src_p = jnp.concatenate([src, (ar * 997) % N])
    dst_p = jnp.concatenate([dst, N + (ar % 16)])

    src3w = src_p.reshape(NW, PC_W, CHUNK)
    dst3w = dst_p.reshape(NW, PC_W, CHUNK)
    src3s = src_p.reshape(NS, 2, HALF, CHUNK)
    dst3s = dst_p.reshape(NS, 2, HALF, CHUNK)
    srcall = jnp.stack([src3s, src3s + N])

    ones128 = jnp.ones((CHUNK, 128), jnp.float32)
    zeros128 = jnp.zeros((N_ACC, EMB), jnp.float32)

    degs = _deg_kernel(dst3w, ones128, zeros128)
    degs8 = lax.slice(degs, (0, 0, 0), (2, N_ACC, 8))

    gtab1, dis8 = pl.pallas_call(
        _tc_l1_body,
        grid=(N // _RB,),
        in_specs=[_row_block(_RB, D_IN), _full((D_IN, H)), _row_block(2, _RB, 8)],
        out_specs=[_row_block(2, _RB, EMB), _row_block(_RB, 8)],
        out_shape=[jax.ShapeDtypeStruct((2, N, EMB), jnp.float32),
                   jax.ShapeDtypeStruct((N, 8), jnp.float32)],
    )(node_x, gcn_w1, degs8)

    acc1 = _msg1_kernel(gtab1.reshape(2 * N, EMB), srcall, dst3s, zeros128)

    g2 = pl.pallas_call(
        _tc_l2_body,
        grid=(N // _RB,),
        in_specs=[_row_block(2, _RB, EMB), _row_block(2, _RB, EMB),
                  _row_block(_RB, 8), _full((1, H)), _full((H, EMB))],
        out_specs=_row_block(_RB, EMB),
        out_shape=jax.ShapeDtypeStruct((N, EMB), jnp.float32),
    )(acc1, gtab1, dis8, gcn_b1.reshape(1, H), gcn_w2)

    acc2 = _msg2_kernel(g2, src3w, dst3w, zeros128)

    emb = pl.pallas_call(
        _tc_emb_body,
        grid=(N // _RB,),
        in_specs=[_row_block(2, _RB, EMB), _row_block(_RB, EMB),
                  _row_block(_RB, 8), _full((1, EMB))],
        out_specs=_row_block(_RB, EMB),
        out_shape=jax.ShapeDtypeStruct((N, EMB), jnp.float32),
    )(acc2, g2, dis8, gcn_b2.reshape(1, EMB))

    skill_emb = _gather_kernel(emb, skill_idx.astype(jnp.int32))

    scores = pl.pallas_call(
        _tc_mlp_body,
        grid=(B // _MB,),
        in_specs=[_row_block(_MB, D_IN), _row_block(_MB, EMB),
                  _full((D_IN, H)), _full((1, H)), _full((H, EMB)), _full((1, EMB)),
                  _full((2 * EMB, H)), _full((1, H)), _full((H, H // 2)),
                  _full((1, H // 2)), _full((H // 2, 1)), _full((1, 1))],
        out_specs=_row_block(_MB, 1),
        out_shape=jax.ShapeDtypeStruct((B, 1), jnp.float32),
    )(occupation_features, skill_emb,
      occ_w1, occ_b1.reshape(1, H), occ_w2, occ_b2.reshape(1, EMB),
      mp_w1, mp_b1.reshape(1, H), mp_w2, mp_b2.reshape(1, H // 2),
      mp_w3, mp_b3.reshape(1, 1))

    return scores.reshape(B)

# --- scband reference (transcript-rebuilt; emitter-appended) ---
"""Pipeline reference for scband-skill-matching-model-6640019440477 (READ-ONLY COPY).

The authoritative reference and input builder live on the scoring server;
editing this copy changes nothing except your own understanding.
"""

import jax, jax.numpy as jnp
import numpy as np

N = 10000
E = 160000
D_IN = 256
H = 256
EMB = 128
B = 4096


def setup_inputs(seed: int = 0) -> dict:
    key = jax.random.key(seed)
    ks = jax.random.split(key, 20)
    inp = {}
    inp["occupation_features"] = jax.random.normal(ks[0], (B, D_IN), dtype=jnp.float32)
    inp["skill_idx"] = jax.random.randint(ks[1], (B,), 0, N)
    # skill graph (model.skill_graph attribute in the torch code)
    inp["node_x"] = jax.random.normal(ks[2], (N, D_IN), dtype=jnp.float32)
    inp["edge_index"] = jax.random.randint(ks[3], (2, E), 0, N)
    s = 0.05
    # GCN layers
    inp["gcn_w1"] = jax.random.normal(ks[4], (D_IN, H), dtype=jnp.float32) * s
    inp["gcn_b1"] = jnp.zeros((H,), dtype=jnp.float32)
    inp["gcn_w2"] = jax.random.normal(ks[5], (H, EMB), dtype=jnp.float32) * s
    inp["gcn_b2"] = jnp.zeros((EMB,), dtype=jnp.float32)
    # occupation MLP (2 layers)
    inp["occ_w1"] = jax.random.normal(ks[6], (D_IN, H), dtype=jnp.float32) * s
    inp["occ_b1"] = jnp.zeros((H,), dtype=jnp.float32)
    inp["occ_w2"] = jax.random.normal(ks[7], (H, EMB), dtype=jnp.float32) * s
    inp["occ_b2"] = jnp.zeros((EMB,), dtype=jnp.float32)
    # matching predictor
    inp["mp_w1"] = jax.random.normal(ks[8], (2 * EMB, H), dtype=jnp.float32) * s
    inp["mp_b1"] = jnp.zeros((H,), dtype=jnp.float32)
    inp["mp_w2"] = jax.random.normal(ks[9], (H, H // 2), dtype=jnp.float32) * s
    inp["mp_b2"] = jnp.zeros((H // 2,), dtype=jnp.float32)
    inp["mp_w3"] = jax.random.normal(ks[10], (H // 2, 1), dtype=jnp.float32) * s
    inp["mp_b3"] = jnp.zeros((1,), dtype=jnp.float32)
    return inp


def _gcn_conv(x, W, b, src, dst, n):
    # GCNConv: x' = D^{-1/2} (A + I) D^{-1/2} (x @ W) + b
    h = x @ W
    loop = jnp.arange(n, dtype=src.dtype)
    src2 = jnp.concatenate([src, loop])
    dst2 = jnp.concatenate([dst, loop])
    deg = jnp.zeros((n,), dtype=h.dtype).at[dst2].add(1.0)
    dis = jnp.where(deg > 0, jax.lax.rsqrt(jnp.maximum(deg, 1e-12)), 0.0)
    norm = dis[src2] * dis[dst2]
    msg = h[src2] * norm[:, None]
    out = jnp.zeros((n, h.shape[1]), dtype=h.dtype).at[dst2].add(msg)
    return out + b


def reference(occupation_features, skill_idx, node_x, edge_index,
              gcn_w1, gcn_b1, gcn_w2, gcn_b2,
              occ_w1, occ_b1, occ_w2, occ_b2,
              mp_w1, mp_b1, mp_w2, mp_b2, mp_w3, mp_b3):
    src = edge_index[0]
    dst = edge_index[1]
    n = node_x.shape[0]
    # skill encoder (2 GCN layers, eval mode -> dropout is identity)
    h = _gcn_conv(node_x, gcn_w1, gcn_b1, src, dst, n)
    h = jax.nn.relu(h)
    skill_node_embeddings = _gcn_conv(h, gcn_w2, gcn_b2, src, dst, n)
    skill_embeddings = skill_node_embeddings[skill_idx]
    # occupation encoder MLP
    o = jax.nn.relu(occupation_features @ occ_w1 + occ_b1)
    occupation_embeddings = o @ occ_w2 + occ_b2
    # matching predictor
    z = jnp.concatenate([occupation_embeddings, skill_embeddings], axis=1)
    z = jax.nn.relu(z @ mp_w1 + mp_b1)
    z = jax.nn.relu(z @ mp_w2 + mp_b2)
    match_scores = jax.nn.sigmoid(z @ mp_w3 + mp_b3)
    return jnp.squeeze(match_scores, axis=-1)

if __name__ == "__main__":
    import jax
    _d = setup_inputs()
    print(jax.jit(kernel)(*tuple(_d.values())))

</pallas_src>

<mosaic_0001>
#map = affine_map<(d0, d1) -> (0, 0, 0)>
#map1 = affine_map<(d0, d1) -> (0, 0)>
module attributes {stable_mosaic.version = 14 : i64} {
  func.func @sc_deg(%arg0: i32, %arg1: i32, %arg2: memref<32x54x96xi32, #tpu.memory_space<hbm>>, %arg3: memref<96x128xf32, #tpu.memory_space<hbm>>, %arg4: memref<10112x128xf32, #tpu.memory_space<hbm>>, %arg5: memref<2x10112x128xf32, #tpu.memory_space<hbm>>, %arg6: memref<54x96xi32, #tpu.memory_space<vmem>>, %arg7: memref<96x128xf32, #tpu.memory_space<vmem>>, %arg8: memref<10112x128xf32, #tpu.memory_space<vmem_shared>>, %arg9: memref<!tpu.dma_semaphore, #tpu.memory_space<semaphore_mem>>) attributes {dimension_semantics = [#tpu.dimension_semantics<core_parallel>, #tpu.dimension_semantics<subcore_parallel>], iteration_bounds = array<i64: 2, 16>, scalar_prefetch = 0 : i64, scratch_operands = 4 : i64, tpu.core_type = #tpu.core_type<sc_vector_subcore>, window_params = [{transform_indices = #map}, {transform_indices = #map1}, {transform_indices = #map1}, {transform_indices = #map}]} {
    %mul3A = arith.constant 632 : i32
    %mul3A_0 = arith.muli %arg1, %mul3A : i32
    %mul3A_1 = arith.constant 632 : i32
    %mul3A_2 = arith.muli %arg1, %mul3A_1 : i32
    "tpu.region"() ({
      %run_scoped3A = tpu.sem_alloc : memref<!tpu.dma_semaphore, #tpu.memory_space<semaphore_mem>>
      %dma_start3A = arith.constant 0 : i32
      %dma_start3A_16 = tpu.memref_slice %arg8[%mul3A_2, %dma_start3A] : memref<10112x128xf32, #tpu.memory_space<vmem_shared>> -> memref<632x128xf32, #tpu.memory_space<vmem_shared>>
      %dma_start3A_17 = arith.constant 0 : i32
      %dma_start3A_18 = tpu.memref_slice %arg4[%mul3A_0, %dma_start3A_17] : memref<10112x128xf32, #tpu.memory_space<hbm>> -> memref<632x128xf32, #tpu.memory_space<hbm>>
      tpu.enqueue_dma source(%dma_start3A_18 : memref<632x128xf32, #tpu.memory_space<hbm>>) target(%dma_start3A_16 : memref<632x128xf32, #tpu.memory_space<vmem_shared>>) target_semaphore(%run_scoped3A : memref<!tpu.dma_semaphore, #tpu.memory_space<semaphore_mem>>)
      %dma_wait3A = arith.constant 0 : i32
      %dma_wait3A_19 = tpu.memref_slice %arg8[%mul3A_2, %dma_wait3A] : memref<10112x128xf32, #tpu.memory_space<vmem_shared>> -> memref<632x128xf32, #tpu.memory_space<vmem_shared>>
      %dma_wait3A_20 = arith.constant 0 : i32
      %dma_wait3A_21 = tpu.memref_slice %arg4[%mul3A_0, %dma_wait3A_20] : memref<10112x128xf32, #tpu.memory_space<hbm>> -> memref<632x128xf32, #tpu.memory_space<hbm>>
      tpu.wait_dma2 semaphore(%run_scoped3A : memref<!tpu.dma_semaphore, #tpu.memory_space<semaphore_mem>>) src(%dma_wait3A_21 : memref<632x128xf32, #tpu.memory_space<hbm>>) dst(%dma_wait3A_19 : memref<632x128xf32, #tpu.memory_space<vmem_shared>>)
      tpu.yield
    }) : () -> ()
    "tpu.region"() ({
      %run_scoped3A = tpu.sem_alloc : memref<!tpu.dma_semaphore, #tpu.memory_space<semaphore_mem>>
      tpu.enqueue_dma source(%arg3 : memref<96x128xf32, #tpu.memory_space<hbm>>) target(%arg7 : memref<96x128xf32, #tpu.memory_space<vmem>>) target_semaphore(%run_scoped3A : memref<!tpu.dma_semaphore, #tpu.memory_space<semaphore_mem>>)
      tpu.wait_dma2 semaphore(%run_scoped3A : memref<!tpu.dma_semaphore, #tpu.memory_space<semaphore_mem>>) src(%arg3 : memref<96x128xf32, #tpu.memory_space<hbm>>) dst(%arg7 : memref<96x128xf32, #tpu.memory_space<vmem>>)
      tpu.yield
    }) : () -> ()
    %mul3A_3 = arith.constant 16 : i32
    %mul3A_4 = arith.muli %arg0, %mul3A_3 : i32
    %add3A = arith.addi %mul3A_4, %arg1 : i32
    "tpu.region"() ({
      %run_scoped3A = tpu.sem_alloc : memref<!tpu.dma_semaphore, #tpu.memory_space<semaphore_mem>>
      %dma_start3A = arith.constant 0 : i32
      %dma_start3A_16 = arith.constant 0 : i32
      %dma_start3A_17 = tpu.memref_slice %arg2[%add3A, %dma_start3A, %dma_start3A_16] : memref<32x54x96xi32, #tpu.memory_space<hbm>> -> memref<1x54x96xi32, #tpu.memory_space<hbm>>
      %dma_start3A_18 = tpu.memref_squeeze %dma_start3A_17 : memref<1x54x96xi32, #tpu.memory_space<hbm>> -> memref<54x96xi32, #tpu.memory_space<hbm>>
      %dma_start3A_19 = arith.constant 0 : i32
      %dma_start3A_20 = arith.constant 0 : i32
      %dma_start3A_21 = tpu.memref_slice %arg2[%add3A, %dma_start3A_19, %dma_start3A_20] : memref<32x54x96xi32, #tpu.memory_space<hbm>> -> memref<1x54x96xi32, #tpu.memory_space<hbm>>
      %dma_start3A_22 = tpu.memref_squeeze %dma_start3A_21 : memref<1x54x96xi32, #tpu.memory_space<hbm>> -> memref<54x96xi32, #tpu.memory_space<hbm>>
      tpu.enqueue_dma source(%dma_start3A_22 : memref<54x96xi32, #tpu.memory_space<hbm>>) target(%arg6 : memref<54x96xi32, #tpu.memory_space<vmem>>) target_semaphore(%run_scoped3A : memref<!tpu.dma_semaphore, #tpu.memory_space<semaphore_mem>>)
      %dma_wait3A = arith.constant 0 : i32
      %dma_wait3A_23 = arith.constant 0 : i32
      %dma_wait3A_24 = tpu.memref_slice %arg2[%add3A, %dma_wait3A, %dma_wait3A_23] : memref<32x54x96xi32, #tpu.memory_space<hbm>> -> memref<1x54x96xi32, #tpu.memory_space<hbm>>
      %dma_wait3A_25 = tpu.memref_squeeze %dma_wait3A_24 : memref<1x54x96xi32, #tpu.memory_space<hbm>> -> memref<54x96xi32, #tpu.memory_space<hbm>>
      %dma_wait3A_26 = arith.constant 0 : i32
      %dma_wait3A_27 = arith.constant 0 : i32
      %dma_wait3A_28 = tpu.memref_slice %arg2[%add3A, %dma_wait3A_26, %dma_wait3A_27] : memref<32x54x96xi32, #tpu.memory_space<hbm>> -> memref<1x54x96xi32, #tpu.memory_space<hbm>>
      %dma_wait3A_29 = tpu.memref_squeeze %dma_wait3A_28 : memref<1x54x96xi32, #tpu.memory_space<hbm>> -> memref<54x96xi32, #tpu.memory_space<hbm>>
      tpu.wait_dma2 semaphore(%run_scoped3A : memref<!tpu.dma_semaphore, #tpu.memory_space<semaphore_mem>>) src(%dma_wait3A_29 : memref<54x96xi32, #tpu.memory_space<hbm>>) dst(%arg6 : memref<54x96xi32, #tpu.memory_space<vmem>>)
      tpu.yield
    }) : () -> ()
    %barrier3A = arith.constant 0 : index
    tpu.barrier barrier_id(%barrier3A)
    %scan3A = arith.constant 0 : i32
    %scan3A_5 = arith.constant 0 : i32
    %scan3A_6 = arith.constant 54 : i32
    %scan3A_7 = arith.addi %scan3A_5, %scan3A_6 : i32
    %scan3A_8 = arith.constant 1 : i32
    %scan3A_9 = scf.for %scan3A_16 = %scan3A_5 to %scan3A_7 step %scan3A_8 iter_args(%scan3A_17 = %scan3A) -> (i32)  : i32 {
      "tpu.region"() ({
        %run_scoped3A = tpu.sem_alloc : memref<!tpu.dma_semaphore, #tpu.memory_space<semaphore_mem>>
        %dma_start3A = arith.constant 0 : i32
        %dma_start3A_19 = tpu.memref_slice %arg6[%scan3A_16, %dma_start3A] : memref<54x96xi32, #tpu.memory_space<vmem>> -> memref<1x96xi32, #tpu.memory_space<vmem>>
        %dma_start3A_20 = tpu.memref_squeeze %dma_start3A_19 : memref<1x96xi32, #tpu.memory_space<vmem>> -> memref<96xi32, #tpu.memory_space<vmem>>
        %dma_start3A_21 = arith.constant 0 : i32
        %dma_start3A_22 = arith.constant 0 : i32
        %dma_start3A_23 = tpu.memref_slice %arg8[%dma_start3A_21, %dma_start3A_22] : memref<10112x128xf32, #tpu.memory_space<vmem_shared>> -> memref<10112x128xf32, #tpu.memory_space<vmem_shared>>
        tpu.enqueue_indirect_dma source(%arg7 : memref<96x128xf32, #tpu.memory_space<vmem>>) target(%dma_start3A_23 : memref<10112x128xf32, #tpu.memory_space<vmem_shared>>) offsets(%dma_start3A_20 : memref<96xi32, #tpu.memory_space<vmem>>) semaphore(%run_scoped3A : memref<!tpu.dma_semaphore, #tpu.memory_space<semaphore_mem>>) {add = true}
        %dma_wait3A = arith.constant 0 : i32
        %dma_wait3A_24 = tpu.memref_slice %arg6[%scan3A_16, %dma_wait3A] : memref<54x96xi32, #tpu.memory_space<vmem>> -> memref<1x96xi32, #tpu.memory_space<vmem>>
        %dma_wait3A_25 = tpu.memref_squeeze %dma_wait3A_24 : memref<1x96xi32, #tpu.memory_space<vmem>> -> memref<96xi32, #tpu.memory_space<vmem>>
        %dma_wait3A_26 = arith.constant 0 : i32
        %dma_wait3A_27 = arith.constant 0 : i32
        %dma_wait3A_28 = tpu.memref_slice %arg8[%dma_wait3A_26, %dma_wait3A_27] : memref<10112x128xf32, #tpu.memory_space<vmem_shared>> -> memref<10112x128xf32, #tpu.memory_space<vmem_shared>>
        tpu.wait_indirect_dma semaphore(%run_scoped3A : memref<!tpu.dma_semaphore, #tpu.memory_space<semaphore_mem>>) src(%arg7 : memref<96x128xf32, #tpu.memory_space<vmem>>) dst(%dma_wait3A_28 : memref<10112x128xf32, #tpu.memory_space<vmem_shared>>)
        tpu.yield
      }) : () -> ()
      %scan3A_18 = arith.constant 0 : i32
      scf.yield %scan3A_18 : i32
    }
    %scan3A_10 = arith.constant 54 : i32
    %barrier3A_11 = arith.constant 0 : index
    tpu.barrier barrier_id(%barrier3A_11)
    %mul3A_12 = arith.constant 632 : i32
    %mul3A_13 = arith.muli %arg1, %mul3A_12 : i32
    %mul3A_14 = arith.constant 632 : i32
    %mul3A_15 = arith.muli %arg1, %mul3A_14 : i32
    "tpu.region"() ({
      %run_scoped3A = tpu.sem_alloc : memref<!tpu.dma_semaphore, #tpu.memory_space<semaphore_mem>>
      %dma_start3A = arith.constant 0 : i32
      %dma_start3A_16 = tpu.memref_slice %arg5[%arg0, %mul3A_15, %dma_start3A] : memref<2x10112x128xf32, #tpu.memory_space<hbm>> -> memref<1x632x128xf32, #tpu.memory_space<hbm>>
      %dma_start3A_17 = tpu.memref_squeeze %dma_start3A_16 : memref<1x632x128xf32, #tpu.memory_space<hbm>> -> memref<632x128xf32, #tpu.memory_space<hbm>>
      %dma_start3A_18 = arith.constant 0 : i32
      %dma_start3A_19 = tpu.memref_slice %arg8[%mul3A_13, %dma_start3A_18] : memref<10112x128xf32, #tpu.memory_space<vmem_shared>> -> memref<632x128xf32, #tpu.memory_space<vmem_shared>>
      tpu.enqueue_dma source(%dma_start3A_19 : memref<632x128xf32, #tpu.memory_space<vmem_shared>>) target(%dma_start3A_17 : memref<632x128xf32, #tpu.memory_space<hbm>>) target_semaphore(%run_scoped3A : memref<!tpu.dma_semaphore, #tpu.memory_space<semaphore_mem>>)
      %dma_wait3A = arith.constant 0 : i32
      %dma_wait3A_20 = tpu.memref_slice %arg5[%arg0, %mul3A_15, %dma_wait3A] : memref<2x10112x128xf32, #tpu.memory_space<hbm>> -> memref<1x632x128xf32, #tpu.memory_space<hbm>>
      %dma_wait3A_21 = tpu.memref_squeeze %dma_wait3A_20 : memref<1x632x128xf32, #tpu.memory_space<hbm>> -> memref<632x128xf32, #tpu.memory_space<hbm>>
      %dma_wait3A_22 = arith.constant 0 : i32
      %dma_wait3A_23 = tpu.memref_slice %arg8[%mul3A_13, %dma_wait3A_22] : memref<10112x128xf32, #tpu.memory_space<vmem_shared>> -> memref<632x128xf32, #tpu.memory_space<vmem_shared>>
      tpu.wait_dma2 semaphore(%run_scoped3A : memref<!tpu.dma_semaphore, #tpu.memory_space<semaphore_mem>>) src(%dma_wait3A_23 : memref<632x128xf32, #tpu.memory_space<vmem_shared>>) dst(%dma_wait3A_21 : memref<632x128xf32, #tpu.memory_space<hbm>>)
      tpu.yield
    }) : () -> ()
    return
  }
}

#map = affine_map<(d0, d1) -> (0, 0)>
#map1 = affine_map<(d0, d1) -> (0, 0, 0, 0, 0)>
#map2 = affine_map<(d0, d1) -> (0, 0, 0, 0)>
#map3 = affine_map<(d0, d1) -> (0, 0, 0)>
module attributes {stable_mosaic.version = 14 : i64} {
  func.func @sc_msg1(%arg0: i32, %arg1: i32, %arg2: memref<20000x128xf32, #tpu.memory_space<hbm>>, %arg3: memref<2x16x2x54x96xi32, #tpu.memory_space<hbm>>, %arg4: memref<16x2x54x96xi32, #tpu.memory_space<hbm>>, %arg5: memref<10112x128xf32, #tpu.memory_space<hbm>>, %arg6: memref<2x10112x128xf32, #tpu.memory_space<hbm>>, %arg7: memref<54x96xi32, #tpu.memory_space<vmem>>, %arg8: memref<54x96xi32, #tpu.memory_space<vmem>>, %arg9: memref<96x128xf32, #tpu.memory_space<vmem>>, %arg10: memref<96x128xf32, #tpu.memory_space<vmem>>, %arg11: memref<10112x128xf32, #tpu.memory_space<vmem_shared>>, %arg12: memref<!tpu.dma_semaphore, #tpu.memory_space<semaphore_mem>>, %arg13: memref<!tpu.dma_semaphore, #tpu.memory_space<semaphore_mem>>) attributes {dimension_semantics = [#tpu.dimension_semantics<core_parallel>, #tpu.dimension_semantics<subcore_parallel>], iteration_bounds = array<i64: 2, 16>, scalar_prefetch = 0 : i64, scratch_operands = 7 : i64, tpu.core_type = #tpu.core_type<sc_vector_subcore>, window_params = [{transform_indices = #map}, {transform_indices = #map1}, {transform_indices = #map2}, {transform_indices = #map}, {transform_indices = #map3}]} {
    %mul3A = arith.constant 632 : i32
    %mul3A_0 = arith.muli %arg1, %mul3A : i32
    %mul3A_1 = arith.constant 632 : i32
    %mul3A_2 = arith.muli %arg1, %mul3A_1 : i32
    "tpu.region"() ({
      %run_scoped3A_37 = tpu.sem_alloc : memref<!tpu.dma_semaphore, #tpu.memory_space<semaphore_mem>>
      %dma_start3A_38 = arith.constant 0 : i32
      %dma_start3A_39 = tpu.memref_slice %arg11[%mul3A_2, %dma_start3A_38] : memref<10112x128xf32, #tpu.memory_space<vmem_shared>> -> memref<632x128xf32, #tpu.memory_space<vmem_shared>>
      %dma_start3A_40 = arith.constant 0 : i32
      %dma_start3A_41 = tpu.memref_slice %arg5[%mul3A_0, %dma_start3A_40] : memref<10112x128xf32, #tpu.memory_space<hbm>> -> memref<632x128xf32, #tpu.memory_space<hbm>>
      tpu.enqueue_dma source(%dma_start3A_41 : memref<632x128xf32, #tpu.memory_space<hbm>>) target(%dma_start3A_39 : memref<632x128xf32, #tpu.memory_space<vmem_shared>>) target_semaphore(%run_scoped3A_37 : memref<!tpu.dma_semaphore, #tpu.memory_space<semaphore_mem>>)
      %dma_wait3A = arith.constant 0 : i32
      %dma_wait3A_42 = tpu.memref_slice %arg11[%mul3A_2, %dma_wait3A] : memref<10112x128xf32, #tpu.memory_space<vmem_shared>> -> memref<632x128xf32, #tpu.memory_space<vmem_shared>>
      %dma_wait3A_43 = arith.constant 0 : i32
      %dma_wait3A_44 = tpu.memref_slice %arg5[%mul3A_0, %dma_wait3A_43] : memref<10112x128xf32, #tpu.memory_space<hbm>> -> memref<632x128xf32, #tpu.memory_space<hbm>>
      tpu.wait_dma2 semaphore(%run_scoped3A_37 : memref<!tpu.dma_semaphore, #tpu.memory_space<semaphore_mem>>) src(%dma_wait3A_44 : memref<632x128xf32, #tpu.memory_space<hbm>>) dst(%dma_wait3A_42 : memref<632x128xf32, #tpu.memory_space<vmem_shared>>)
      tpu.yield
    }) : () -> ()
    %barrier3A = arith.constant 0 : index
    tpu.barrier barrier_id(%barrier3A)
    %run_scoped3A = arith.constant 0 : i32
    "tpu.region"() ({
      %run_scoped3A_37 = tpu.sem_alloc : memref<!tpu.dma_semaphore, #tpu.memory_space<semaphore_mem>>
      %dma_start3A_38 = arith.constant 0 : i32
      %dma_start3A_39 = arith.constant 0 : i32
      %dma_start3A_40 = tpu.memref_slice %arg3[%arg0, %arg1, %run_scoped3A, %dma_start3A_38, %dma_start3A_39] : memref<2x16x2x54x96xi32, #tpu.memory_space<hbm>> -> memref<1x1x1x54x96xi32, #tpu.memory_space<hbm>>
      %dma_start3A_41 = tpu.memref_squeeze %dma_start3A_40 : memref<1x1x1x54x96xi32, #tpu.memory_space<hbm>> -> memref<54x96xi32, #tpu.memory_space<hbm>>
      %dma_start3A_42 = arith.constant 0 : i32
      %dma_start3A_43 = arith.constant 0 : i32
      %dma_start3A_44 = tpu.memref_slice %arg3[%arg0, %arg1, %run_scoped3A, %dma_start3A_42, %dma_start3A_43] : memref<2x16x2x54x96xi32, #tpu.memory_space<hbm>> -> memref<1x1x1x54x96xi32, #tpu.memory_space<hbm>>
      %dma_start3A_45 = tpu.memref_squeeze %dma_start3A_44 : memref<1x1x1x54x96xi32, #tpu.memory_space<hbm>> -> memref<54x96xi32, #tpu.memory_space<hbm>>
      tpu.enqueue_dma source(%dma_start3A_45 : memref<54x96xi32, #tpu.memory_space<hbm>>) target(%arg7 : memref<54x96xi32, #tpu.memory_space<vmem>>) target_semaphore(%run_scoped3A_37 : memref<!tpu.dma_semaphore, #tpu.memory_space<semaphore_mem>>)
      %dma_wait3A = arith.constant 0 : i32
      %dma_wait3A_46 = arith.constant 0 : i32
      %dma_wait3A_47 = tpu.memref_slice %arg3[%arg0, %arg1, %run_scoped3A, %dma_wait3A, %dma_wait3A_46] : memref<2x16x2x54x96xi32, #tpu.memory_space<hbm>> -> memref<1x1x1x54x96xi32, #tpu.memory_space<hbm>>
      %dma_wait3A_48 = tpu.memref_squeeze %dma_wait3A_47 : memref<1x1x1x54x96xi32, #tpu.memory_space<hbm>> -> memref<54x96xi32, #tpu.memory_space<hbm>>
      %dma_wait3A_49 = arith.constant 0 : i32
      %dma_wait3A_50 = arith.constant 0 : i32
      %dma_wait3A_51 = tpu.memref_slice %arg3[%arg0, %arg1, %run_scoped3A, %dma_wait3A_49, %dma_wait3A_50] : memref<2x16x2x54x96xi32, #tpu.memory_space<hbm>> -> memref<1x1x1x54x96xi32, #tpu.memory_space<hbm>>
      %dma_wait3A_52 = tpu.memref_squeeze %dma_wait3A_51 : memref<1x1x1x54x96xi32, #tpu.memory_space<hbm>> -> memref<54x96xi32, #tpu.memory_space<hbm>>
      tpu.wait_dma2 semaphore(%run_scoped3A_37 : memref<!tpu.dma_semaphore, #tpu.memory_space<semaphore_mem>>) src(%dma_wait3A_52 : memref<54x96xi32, #tpu.memory_space<hbm>>) dst(%arg7 : memref<54x96xi32, #tpu.memory_space<vmem>>)
      tpu.yield
    }) : () -> ()
    %run_scoped3A_3 = arith.constant 0 : i32
    "tpu.region"() ({
      %run_scoped3A_37 = tpu.sem_alloc : memref<!tpu.dma_semaphore, #tpu.memory_space<semaphore_mem>>
      %dma_start3A_38 = arith.constant 0 : i32
      %dma_start3A_39 = arith.constant 0 : i32
      %dma_start3A_40 = tpu.memref_slice %arg4[%arg1, %run_scoped3A_3, %dma_start3A_38, %dma_start3A_39] : memref<16x2x54x96xi32, #tpu.memory_space<hbm>> -> memref<1x1x54x96xi32, #tpu.memory_space<hbm>>
      %dma_start3A_41 = tpu.memref_squeeze %dma_start3A_40 : memref<1x1x54x96xi32, #tpu.memory_space<hbm>> -> memref<54x96xi32, #tpu.memory_space<hbm>>
      %dma_start3A_42 = arith.constant 0 : i32
      %dma_start3A_43 = arith.constant 0 : i32
      %dma_start3A_44 = tpu.memref_slice %arg4[%arg1, %run_scoped3A_3, %dma_start3A_42, %dma_start3A_43] : memref<16x2x54x96xi32, #tpu.memory_space<hbm>> -> memref<1x1x54x96xi32, #tpu.memory_space<hbm>>
      %dma_start3A_45 = tpu.memref_squeeze %dma_start3A_44 : memref<1x1x54x96xi32, #tpu.memory_space<hbm>> -> memref<54x96xi32, #tpu.memory_space<hbm>>
      tpu.enqueue_dma source(%dma_start3A_45 : memref<54x96xi32, #tpu.memory_space<hbm>>) target(%arg8 : memref<54x96xi32, #tpu.memory_space<vmem>>) target_semaphore(%run_scoped3A_37 : memref<!tpu.dma_semaphore, #tpu.memory_space<semaphore_mem>>)
      %dma_wait3A = arith.constant 0 : i32
      %dma_wait3A_46 = arith.constant 0 : i32
      %dma_wait3A_47 = tpu.memref_slice %arg4[%arg1, %run_scoped3A_3, %dma_wait3A, %dma_wait3A_46] : memref<16x2x54x96xi32, #tpu.memory_space<hbm>> -> memref<1x1x54x96xi32, #tpu.memory_space<hbm>>
      %dma_wait3A_48 = tpu.memref_squeeze %dma_wait3A_47 : memref<1x1x54x96xi32, #tpu.memory_space<hbm>> -> memref<54x96xi32, #tpu.memory_space<hbm>>
      %dma_wait3A_49 = arith.constant 0 : i32
      %dma_wait3A_50 = arith.constant 0 : i32
      %dma_wait3A_51 = tpu.memref_slice %arg4[%arg1, %run_scoped3A_3, %dma_wait3A_49, %dma_wait3A_50] : memref<16x2x54x96xi32, #tpu.memory_space<hbm>> -> memref<1x1x54x96xi32, #tpu.memory_space<hbm>>
      %dma_wait3A_52 = tpu.memref_squeeze %dma_wait3A_51 : memref<1x1x54x96xi32, #tpu.memory_space<hbm>> -> memref<54x96xi32, #tpu.memory_space<hbm>>
      tpu.wait_dma2 semaphore(%run_scoped3A_37 : memref<!tpu.dma_semaphore, #tpu.memory_space<semaphore_mem>>) src(%dma_wait3A_52 : memref<54x96xi32, #tpu.memory_space<hbm>>) dst(%arg8 : memref<54x96xi32, #tpu.memory_space<vmem>>)
      tpu.yield
    }) : () -> ()
    %dma_start3A = arith.constant 0 : i32
    %dma_start3A_4 = arith.constant 0 : i32
    %dma_start3A_5 = tpu.memref_slice %arg7[%dma_start3A, %dma_start3A_4] : memref<54x96xi32, #tpu.memory_space<vmem>> -> memref<1x96xi32, #tpu.memory_space<vmem>>
    %dma_start3A_6 = tpu.memref_squeeze %dma_start3A_5 : memref<1x96xi32, #tpu.memory_space<vmem>> -> memref<96xi32, #tpu.memory_space<vmem>>
    %dma_start3A_7 = arith.constant 0 : i32
    %dma_start3A_8 = arith.constant 0 : i32
    %dma_start3A_9 = tpu.memref_slice %arg2[%dma_start3A_7, %dma_start3A_8] : memref<20000x128xf32, #tpu.memory_space<hbm>> -> memref<20000x128xf32, #tpu.memory_space<hbm>>
    tpu.enqueue_indirect_dma source(%dma_start3A_9 : memref<20000x128xf32, #tpu.memory_space<hbm>>) target(%arg9 : memref<96x128xf32, #tpu.memory_space<vmem>>) offsets(%dma_start3A_6 : memref<96xi32, #tpu.memory_space<vmem>>) semaphore(%arg12 : memref<!tpu.dma_semaphore, #tpu.memory_space<semaphore_mem>>)
    %scan3A = arith.constant 0 : i32
    %scan3A_10 = arith.constant 0 : i32
    %scan3A_11 = arith.constant 27 : i32
    %scan3A_12 = arith.addi %scan3A_10, %scan3A_11 : i32
    %scan3A_13 = arith.constant 1 : i32
    %scan3A_14 = scf.for %scan3A_37 = %scan3A_10 to %scan3A_12 step %scan3A_13 iter_args(%scan3A_38 = %scan3A) -> (i32)  : i32 {
      %mul3A_39 = arith.constant 2 : i32
      %mul3A_40 = arith.muli %mul3A_39, %scan3A_37 : i32
      %add3A = arith.constant 1 : i32
      %add3A_41 = arith.addi %mul3A_40, %add3A : i32
      %dma_start3A_42 = arith.constant 0 : i32
      %dma_start3A_43 = tpu.memref_slice %arg7[%add3A_41, %dma_start3A_42] : memref<54x96xi32, #tpu.memory_space<vmem>> -> memref<1x96xi32, #tpu.memory_space<vmem>>
      %dma_start3A_44 = tpu.memref_squeeze %dma_start3A_43 : memref<1x96xi32, #tpu.memory_space<vmem>> -> memref<96xi32, #tpu.memory_space<vmem>>
      %dma_start3A_45 = arith.constant 0 : i32
      %dma_start3A_46 = arith.constant 0 : i32
      %dma_start3A_47 = tpu.memref_slice %arg2[%dma_start3A_45, %dma_start3A_46] : memref<20000x128xf32, #tpu.memory_space<hbm>> -> memref<20000x128xf32, #tpu.memory_space<hbm>>
      tpu.enqueue_indirect_dma source(%dma_start3A_47 : memref<20000x128xf32, #tpu.memory_space<hbm>>) target(%arg10 : memref<96x128xf32, #tpu.memory_space<vmem>>) offsets(%dma_start3A_44 : memref<96xi32, #tpu.memory_space<vmem>>) semaphore(%arg13 : memref<!tpu.dma_semaphore, #tpu.memory_space<semaphore_mem>>)
      %dma_wait3A = arith.constant 0 : i32
      %dma_wait3A_48 = tpu.memref_slice %arg7[%mul3A_40, %dma_wait3A] : memref<54x96xi32, #tpu.memory_space<vmem>> -> memref<1x96xi32, #tpu.memory_space<vmem>>
      %dma_wait3A_49 = tpu.memref_squeeze %dma_wait3A_48 : memref<1x96xi32, #tpu.memory_space<vmem>> -> memref<96xi32, #tpu.memory_space<vmem>>
      %dma_wait3A_50 = arith.constant 0 : i32
      %dma_wait3A_51 = arith.constant 0 : i32
      %dma_wait3A_52 = tpu.memref_slice %arg2[%dma_wait3A_50, %dma_wait3A_51] : memref<20000x128xf32, #tpu.memory_space<hbm>> -> memref<20000x128xf32, #tpu.memory_space<hbm>>
      tpu.wait_indirect_dma semaphore(%arg12 : memref<!tpu.dma_semaphore, #tpu.memory_space<semaphore_mem>>) src(%dma_wait3A_52 : memref<20000x128xf32, #tpu.memory_space<hbm>>) dst(%arg9 : memref<96x128xf32, #tpu.memory_space<vmem>>)
      "tpu.region"() ({
        %run_scoped3A_64 = tpu.sem_alloc : memref<!tpu.dma_semaphore, #tpu.memory_space<semaphore_mem>>
        %dma_start3A_65 = arith.constant 0 : i32
        %dma_start3A_66 = tpu.memref_slice %arg8[%mul3A_40, %dma_start3A_65] : memref<54x96xi32, #tpu.memory_space<vmem>> -> memref<1x96xi32, #tpu.memory_space<vmem>>
        %dma_start3A_67 = tpu.memref_squeeze %dma_start3A_66 : memref<1x96xi32, #tpu.memory_space<vmem>> -> memref<96xi32, #tpu.memory_space<vmem>>
        %dma_start3A_68 = arith.constant 0 : i32
        %dma_start3A_69 = arith.constant 0 : i32
        %dma_start3A_70 = tpu.memref_slice %arg11[%dma_start3A_68, %dma_start3A_69] : memref<10112x128xf32, #tpu.memory_space<vmem_shared>> -> memref<10112x128xf32, #tpu.memory_space<vmem_shared>>
        tpu.enqueue_indirect_dma source(%arg9 : memref<96x128xf32, #tpu.memory_space<vmem>>) target(%dma_start3A_70 : memref<10112x128xf32, #tpu.memory_space<vmem_shared>>) offsets(%dma_start3A_67 : memref<96xi32, #tpu.memory_space<vmem>>) semaphore(%run_scoped3A_64 : memref<!tpu.dma_semaphore, #tpu.memory_space<semaphore_mem>>) {add = true}
        %dma_wait3A_71 = arith.constant 0 : i32
        %dma_wait3A_72 = tpu.memref_slice %arg8[%mul3A_40, %dma_wait3A_71] : memref<54x96xi32, #tpu.memory_space<vmem>> -> memref<1x96xi32, #tpu.memory_space<vmem>>
        %dma_wait3A_73 = tpu.memref_squeeze %dma_wait3A_72 : memref<1x96xi32, #tpu.memory_space<vmem>> -> memref<96xi32, #tpu.memory_space<vmem>>
        %dma_wait3A_74 = arith.constant 0 : i32
        %dma_wait3A_75 = arith.constant 0 : i32
        %dma_wait3A_76 = tpu.memref_slice %arg11[%dma_wait3A_74, %dma_wait3A_75] : memref<10112x128xf32, #tpu.memory_space<vmem_shared>> -> memref<10112x128xf32, #tpu.memory_space<vmem_shared>>
        tpu.wait_indirect_dma semaphore(%run_scoped3A_64 : memref<!tpu.dma_semaphore, #tpu.memory_space<semaphore_mem>>) src(%arg9 : memref<96x128xf32, #tpu.memory_space<vmem>>) dst(%dma_wait3A_76 : memref<10112x128xf32, #tpu.memory_space<vmem_shared>>)
        tpu.yield
      }) : () -> ()
      %add3A_53 = arith.constant 2 : i32
      %add3A_54 = arith.addi %mul3A_40, %add3A_53 : i32
      %lt3A = arith.constant 54 : i32
      %lt3A_55 = arith.cmpi slt, %add3A_54, %lt3A : i32
      %convert_element_type3A = arith.extui %lt3A_55 : i1 to i32
      %cond3A = arith.constant 0 : i32
      %cond3A_56 = arith.cmpi ne, %convert_element_type3A, %cond3A : i32
      scf.if %cond3A_56 {
        %add3A_64 = arith.constant 2 : i32
        %add3A_65 = arith.addi %mul3A_40, %add3A_64 : i32
        %dma_start3A_66 = arith.constant 0 : i32
        %dma_start3A_67 = tpu.memref_slice %arg7[%add3A_65, %dma_start3A_66] : memref<54x96xi32, #tpu.memory_space<vmem>> -> memref<1x96xi32, #tpu.memory_space<vmem>>
        %dma_start3A_68 = tpu.memref_squeeze %dma_start3A_67 : memref<1x96xi32, #tpu.memory_space<vmem>> -> memref<96xi32, #tpu.memory_space<vmem>>
        %dma_start3A_69 = arith.constant 0 : i32
        %dma_start3A_70 = arith.constant 0 : i32
        %dma_start3A_71 = tpu.memref_slice %arg2[%dma_start3A_69, %dma_start3A_70] : memref<20000x128xf32, #tpu.memory_space<hbm>> -> memref<20000x128xf32, #tpu.memory_space<hbm>>
        tpu.enqueue_indirect_dma source(%dma_start3A_71 : memref<20000x128xf32, #tpu.memory_space<hbm>>) target(%arg9 : memref<96x128xf32, #tpu.memory_space<vmem>>) offsets(%dma_start3A_68 : memref<96xi32, #tpu.memory_space<vmem>>) semaphore(%arg12 : memref<!tpu.dma_semaphore, #tpu.memory_space<semaphore_mem>>)
      } else {
      }
      %dma_wait3A_57 = arith.constant 0 : i32
      %dma_wait3A_58 = tpu.memref_slice %arg7[%add3A_41, %dma_wait3A_57] : memref<54x96xi32, #tpu.memory_space<vmem>> -> memref<1x96xi32, #tpu.memory_space<vmem>>
      %dma_wait3A_59 = tpu.memref_squeeze %dma_wait3A_58 : memref<1x96xi32, #tpu.memory_space<vmem>> -> memref<96xi32, #tpu.memory_space<vmem>>
      %dma_wait3A_60 = arith.constant 0 : i32
      %dma_wait3A_61 = arith.constant 0 : i32
      %dma_wait3A_62 = tpu.memref_slice %arg2[%dma_wait3A_60, %dma_wait3A_61] : memref<20000x128xf32, #tpu.memory_space<hbm>> -> memref<20000x128xf32, #tpu.memory_space<hbm>>
      tpu.wait_indirect_dma semaphore(%arg13 : memref<!tpu.dma_semaphore, #tpu.memory_space<semaphore_mem>>) src(%dma_wait3A_62 : memref<20000x128xf32, #tpu.memory_space<hbm>>) dst(%arg10 : memref<96x128xf32, #tpu.memory_space<vmem>>)
      "tpu.region"() ({
        %run_scoped3A_64 = tpu.sem_alloc : memref<!tpu.dma_semaphore, #tpu.memory_space<semaphore_mem>>
        %dma_start3A_65 = arith.constant 0 : i32
        %dma_start3A_66 = tpu.memref_slice %arg8[%add3A_41, %dma_start3A_65] : memref<54x96xi32, #tpu.memory_space<vmem>> -> memref<1x96xi32, #tpu.memory_space<vmem>>
        %dma_start3A_67 = tpu.memref_squeeze %dma_start3A_66 : memref<1x96xi32, #tpu.memory_space<vmem>> -> memref<96xi32, #tpu.memory_space<vmem>>
        %dma_start3A_68 = arith.constant 0 : i32
        %dma_start3A_69 = arith.constant 0 : i32
        %dma_start3A_70 = tpu.memref_slice %arg11[%dma_start3A_68, %dma_start3A_69] : memref<10112x128xf32, #tpu.memory_space<vmem_shared>> -> memref<10112x128xf32, #tpu.memory_space<vmem_shared>>
        tpu.enqueue_indirect_dma source(%arg10 : memref<96x128xf32, #tpu.memory_space<vmem>>) target(%dma_start3A_70 : memref<10112x128xf32, #tpu.memory_space<vmem_shared>>) offsets(%dma_start3A_67 : memref<96xi32, #tpu.memory_space<vmem>>) semaphore(%run_scoped3A_64 : memref<!tpu.dma_semaphore, #tpu.memory_space<semaphore_mem>>) {add = true}
        %dma_wait3A_71 = arith.constant 0 : i32
        %dma_wait3A_72 = tpu.memref_slice %arg8[%add3A_41, %dma_wait3A_71] : memref<54x96xi32, #tpu.memory_space<vmem>> -> memref<1x96xi32, #tpu.memory_space<vmem>>
        %dma_wait3A_73 = tpu.memref_squeeze %dma_wait3A_72 : memref<1x96xi32, #tpu.memory_space<vmem>> -> memref<96xi32, #tpu.memory_space<vmem>>
        %dma_wait3A_74 = arith.constant 0 : i32
        %dma_wait3A_75 = arith.constant 0 : i32
        %dma_wait3A_76 = tpu.memref_slice %arg11[%dma_wait3A_74, %dma_wait3A_75] : memref<10112x128xf32, #tpu.memory_space<vmem_shared>> -> memref<10112x128xf32, #tpu.memory_space<vmem_shared>>
        tpu.wait_indirect_dma semaphore(%run_scoped3A_64 : memref<!tpu.dma_semaphore, #tpu.memory_space<semaphore_mem>>) src(%arg10 : memref<96x128xf32, #tpu.memory_space<vmem>>) dst(%dma_wait3A_76 : memref<10112x128xf32, #tpu.memory_space<vmem_shared>>)
        tpu.yield
      }) : () -> ()
      %scan3A_63 = arith.constant 0 : i32
      scf.yield %scan3A_63 : i32
    }
    %scan3A_15 = arith.constant 27 : i32
    %run_scoped3A_16 = arith.constant 1 : i32
    "tpu.region"() ({
      %run_scoped3A_37 = tpu.sem_alloc : memref<!tpu.dma_semaphore, #tpu.memory_space<semaphore_mem>>
      %dma_start3A_38 = arith.constant 0 : i32
      %dma_start3A_39 = arith.constant 0 : i32
      %dma_start3A_40 = tpu.memref_slice %arg3[%arg0, %arg1, %run_scoped3A_16, %dma_start3A_38, %dma_start3A_39] : memref<2x16x2x54x96xi32, #tpu.memory_space<hbm>> -> memref<1x1x1x54x96xi32, #tpu.memory_space<hbm>>
      %dma_start3A_41 = tpu.memref_squeeze %dma_start3A_40 : memref<1x1x1x54x96xi32, #tpu.memory_space<hbm>> -> memref<54x96xi32, #tpu.memory_space<hbm>>
      %dma_start3A_42 = arith.constant 0 : i32
      %dma_start3A_43 = arith.constant 0 : i32
      %dma_start3A_44 = tpu.memref_slice %arg3[%arg0, %arg1, %run_scoped3A_16, %dma_start3A_42, %dma_start3A_43] : memref<2x16x2x54x96xi32, #tpu.memory_space<hbm>> -> memref<1x1x1x54x96xi32, #tpu.memory_space<hbm>>
      %dma_start3A_45 = tpu.memref_squeeze %dma_start3A_44 : memref<1x1x1x54x96xi32, #tpu.memory_space<hbm>> -> memref<54x96xi32, #tpu.memory_space<hbm>>
      tpu.enqueue_dma source(%dma_start3A_45 : memref<54x96xi32, #tpu.memory_space<hbm>>) target(%arg7 : memref<54x96xi32, #tpu.memory_space<vmem>>) target_semaphore(%run_scoped3A_37 : memref<!tpu.dma_semaphore, #tpu.memory_space<semaphore_mem>>)
      %dma_wait3A = arith.constant 0 : i32
      %dma_wait3A_46 = arith.constant 0 : i32
      %dma_wait3A_47 = tpu.memref_slice %arg3[%arg0, %arg1, %run_scoped3A_16, %dma_wait3A, %dma_wait3A_46] : memref<2x16x2x54x96xi32, #tpu.memory_space<hbm>> -> memref<1x1x1x54x96xi32, #tpu.memory_space<hbm>>
      %dma_wait3A_48 = tpu.memref_squeeze %dma_wait3A_47 : memref<1x1x1x54x96xi32, #tpu.memory_space<hbm>> -> memref<54x96xi32, #tpu.memory_space<hbm>>
      %dma_wait3A_49 = arith.constant 0 : i32
      %dma_wait3A_50 = arith.constant 0 : i32
      %dma_wait3A_51 = tpu.memref_slice %arg3[%arg0, %arg1, %run_scoped3A_16, %dma_wait3A_49, %dma_wait3A_50] : memref<2x16x2x54x96xi32, #tpu.memory_space<hbm>> -> memref<1x1x1x54x96xi32, #tpu.memory_space<hbm>>
      %dma_wait3A_52 = tpu.memref_squeeze %dma_wait3A_51 : memref<1x1x1x54x96xi32, #tpu.memory_space<hbm>> -> memref<54x96xi32, #tpu.memory_space<hbm>>
      tpu.wait_dma2 semaphore(%run_scoped3A_37 : memref<!tpu.dma_semaphore, #tpu.memory_space<semaphore_mem>>) src(%dma_wait3A_52 : memref<54x96xi32, #tpu.memory_space<hbm>>) dst(%arg7 : memref<54x96xi32, #tpu.memory_space<vmem>>)
      tpu.yield
    }) : () -> ()
    %run_scoped3A_17 = arith.constant 1 : i32
    "tpu.region"() ({
      %run_scoped3A_37 = tpu.sem_alloc : memref<!tpu.dma_semaphore, #tpu.memory_space<semaphore_mem>>
      %dma_start3A_38 = arith.constant 0 : i32
      %dma_start3A_39 = arith.constant 0 : i32
      %dma_start3A_40 = tpu.memref_slice %arg4[%arg1, %run_scoped3A_17, %dma_start3A_38, %dma_start3A_39] : memref<16x2x54x96xi32, #tpu.memory_space<hbm>> -> memref<1x1x54x96xi32, #tpu.memory_space<hbm>>
      %dma_start3A_41 = tpu.memref_squeeze %dma_start3A_40 : memref<1x1x54x96xi32, #tpu.memory_space<hbm>> -> memref<54x96xi32, #tpu.memory_space<hbm>>
      %dma_start3A_42 = arith.constant 0 : i32
      %dma_start3A_43 = arith.constant 0 : i32
      %dma_start3A_44 = tpu.memref_slice %arg4[%arg1, %run_scoped3A_17, %dma_start3A_42, %dma_start3A_43] : memref<16x2x54x96xi32, #tpu.memory_space<hbm>> -> memref<1x1x54x96xi32, #tpu.memory_space<hbm>>
      %dma_start3A_45 = tpu.memref_squeeze %dma_start3A_44 : memref<1x1x54x96xi32, #tpu.memory_space<hbm>> -> memref<54x96xi32, #tpu.memory_space<hbm>>
      tpu.enqueue_dma source(%dma_start3A_45 : memref<54x96xi32, #tpu.memory_space<hbm>>) target(%arg8 : memref<54x96xi32, #tpu.memory_space<vmem>>) target_semaphore(%run_scoped3A_37 : memref<!tpu.dma_semaphore, #tpu.memory_space<semaphore_mem>>)
      %dma_wait3A = arith.constant 0 : i32
      %dma_wait3A_46 = arith.constant 0 : i32
      %dma_wait3A_47 = tpu.memref_slice %arg4[%arg1, %run_scoped3A_17, %dma_wait3A, %dma_wait3A_46] : memref<16x2x54x96xi32, #tpu.memory_space<hbm>> -> memref<1x1x54x96xi32, #tpu.memory_space<hbm>>
      %dma_wait3A_48 = tpu.memref_squeeze %dma_wait3A_47 : memref<1x1x54x96xi32, #tpu.memory_space<hbm>> -> memref<54x96xi32, #tpu.memory_space<hbm>>
      %dma_wait3A_49 = arith.constant 0 : i32
      %dma_wait3A_50 = arith.constant 0 : i32
      %dma_wait3A_51 = tpu.memref_slice %arg4[%arg1, %run_scoped3A_17, %dma_wait3A_49, %dma_wait3A_50] : memref<16x2x54x96xi32, #tpu.memory_space<hbm>> -> memref<1x1x54x96xi32, #tpu.memory_space<hbm>>
      %dma_wait3A_52 = tpu.memref_squeeze %dma_wait3A_51 : memref<1x1x54x96xi32, #tpu.memory_space<hbm>> -> memref<54x96xi32, #tpu.memory_space<hbm>>
      tpu.wait_dma2 semaphore(%run_scoped3A_37 : memref<!tpu.dma_semaphore, #tpu.memory_space<semaphore_mem>>) src(%dma_wait3A_52 : memref<54x96xi32, #tpu.memory_space<hbm>>) dst(%arg8 : memref<54x96xi32, #tpu.memory_space<vmem>>)
      tpu.yield
    }) : () -> ()
    %dma_start3A_18 = arith.constant 0 : i32
    %dma_start3A_19 = arith.constant 0 : i32
    %dma_start3A_20 = tpu.memref_slice %arg7[%dma_start3A_18, %dma_start3A_19] : memref<54x96xi32, #tpu.memory_space<vmem>> -> memref<1x96xi32, #tpu.memory_space<vmem>>
    %dma_start3A_21 = tpu.memref_squeeze %dma_start3A_20 : memref<1x96xi32, #tpu.memory_space<vmem>> -> memref<96xi32, #tpu.memory_space<vmem>>
    %dma_start3A_22 = arith.constant 0 : i32
    %dma_start3A_23 = arith.constant 0 : i32
    %dma_start3A_24 = tpu.memref_slice %arg2[%dma_start3A_22, %dma_start3A_23] : memref<20000x128xf32, #tpu.memory_space<hbm>> -> memref<20000x128xf32, #tpu.memory_space<hbm>>
    tpu.enqueue_indirect_dma source(%dma_start3A_24 : memref<20000x128xf32, #tpu.memory_space<hbm>>) target(%arg9 : memref<96x128xf32, #tpu.memory_space<vmem>>) offsets(%dma_start3A_21 : memref<96xi32, #tpu.memory_space<vmem>>) semaphore(%arg12 : memref<!tpu.dma_semaphore, #tpu.memory_space<semaphore_mem>>)
    %scan3A_25 = arith.constant 0 : i32
    %scan3A_26 = arith.constant 0 : i32
    %scan3A_27 = arith.constant 27 : i32
    %scan3A_28 = arith.addi %scan3A_26, %scan3A_27 : i32
    %scan3A_29 = arith.constant 1 : i32
    %scan3A_30 = scf.for %scan3A_37 = %scan3A_26 to %scan3A_28 step %scan3A_29 iter_args(%scan3A_38 = %scan3A_25) -> (i32)  : i32 {
      %mul3A_39 = arith.constant 2 : i32
      %mul3A_40 = arith.muli %mul3A_39, %scan3A_37 : i32
      %add3A = arith.constant 1 : i32
      %add3A_41 = arith.addi %mul3A_40, %add3A : i32
      %dma_start3A_42 = arith.constant 0 : i32
      %dma_start3A_43 = tpu.memref_slice %arg7[%add3A_41, %dma_start3A_42] : memref<54x96xi32, #tpu.memory_space<vmem>> -> memref<1x96xi32, #tpu.memory_space<vmem>>
      %dma_start3A_44 = tpu.memref_squeeze %dma_start3A_43 : memref<1x96xi32, #tpu.memory_space<vmem>> -> memref<96xi32, #tpu.memory_space<vmem>>
      %dma_start3A_45 = arith.constant 0 : i32
      %dma_start3A_46 = arith.constant 0 : i32
      %dma_start3A_47 = tpu.memref_slice %arg2[%dma_start3A_45, %dma_start3A_46] : memref<20000x128xf32, #tpu.memory_space<hbm>> -> memref<20000x128xf32, #tpu.memory_space<hbm>>
      tpu.enqueue_indirect_dma source(%dma_start3A_47 : memref<20000x128xf32, #tpu.memory_space<hbm>>) target(%arg10 : memref<96x128xf32, #tpu.memory_space<vmem>>) offsets(%dma_start3A_44 : memref<96xi32, #tpu.memory_space<vmem>>) semaphore(%arg13 : memref<!tpu.dma_semaphore, #tpu.memory_space<semaphore_mem>>)
      %dma_wait3A = arith.constant 0 : i32
      %dma_wait3A_48 = tpu.memref_slice %arg7[%mul3A_40, %dma_wait3A] : memref<54x96xi32, #tpu.memory_space<vmem>> -> memref<1x96xi32, #tpu.memory_space<vmem>>
      %dma_wait3A_49 = tpu.memref_squeeze %dma_wait3A_48 : memref<1x96xi32, #tpu.memory_space<vmem>> -> memref<96xi32, #tpu.memory_space<vmem>>
      %dma_wait3A_50 = arith.constant 0 : i32
      %dma_wait3A_51 = arith.constant 0 : i32
      %dma_wait3A_52 = tpu.memref_slice %arg2[%dma_wait3A_50, %dma_wait3A_51] : memref<20000x128xf32, #tpu.memory_space<hbm>> -> memref<20000x128xf32, #tpu.memory_space<hbm>>
      tpu.wait_indirect_dma semaphore(%arg12 : memref<!tpu.dma_semaphore, #tpu.memory_space<semaphore_mem>>) src(%dma_wait3A_52 : memref<20000x128xf32, #tpu.memory_space<hbm>>) dst(%arg9 : memref<96x128xf32, #tpu.memory_space<vmem>>)
      "tpu.region"() ({
        %run_scoped3A_64 = tpu.sem_alloc : memref<!tpu.dma_semaphore, #tpu.memory_space<semaphore_mem>>
        %dma_start3A_65 = arith.constant 0 : i32
        %dma_start3A_66 = tpu.memref_slice %arg8[%mul3A_40, %dma_start3A_65] : memref<54x96xi32, #tpu.memory_space<vmem>> -> memref<1x96xi32, #tpu.memory_space<vmem>>
        %dma_start3A_67 = tpu.memref_squeeze %dma_start3A_66 : memref<1x96xi32, #tpu.memory_space<vmem>> -> memref<96xi32, #tpu.memory_space<vmem>>
        %dma_start3A_68 = arith.constant 0 : i32
        %dma_start3A_69 = arith.constant 0 : i32
        %dma_start3A_70 = tpu.memref_slice %arg11[%dma_start3A_68, %dma_start3A_69] : memref<10112x128xf32, #tpu.memory_space<vmem_shared>> -> memref<10112x128xf32, #tpu.memory_space<vmem_shared>>
        tpu.enqueue_indirect_dma source(%arg9 : memref<96x128xf32, #tpu.memory_space<vmem>>) target(%dma_start3A_70 : memref<10112x128xf32, #tpu.memory_space<vmem_shared>>) offsets(%dma_start3A_67 : memref<96xi32, #tpu.memory_space<vmem>>) semaphore(%run_scoped3A_64 : memref<!tpu.dma_semaphore, #tpu.memory_space<semaphore_mem>>) {add = true}
        %dma_wait3A_71 = arith.constant 0 : i32
        %dma_wait3A_72 = tpu.memref_slice %arg8[%mul3A_40, %dma_wait3A_71] : memref<54x96xi32, #tpu.memory_space<vmem>> -> memref<1x96xi32, #tpu.memory_space<vmem>>
        %dma_wait3A_73 = tpu.memref_squeeze %dma_wait3A_72 : memref<1x96xi32, #tpu.memory_space<vmem>> -> memref<96xi32, #tpu.memory_space<vmem>>
        %dma_wait3A_74 = arith.constant 0 : i32
        %dma_wait3A_75 = arith.constant 0 : i32
        %dma_wait3A_76 = tpu.memref_slice %arg11[%dma_wait3A_74, %dma_wait3A_75] : memref<10112x128xf32, #tpu.memory_space<vmem_shared>> -> memref<10112x128xf32, #tpu.memory_space<vmem_shared>>
        tpu.wait_indirect_dma semaphore(%run_scoped3A_64 : memref<!tpu.dma_semaphore, #tpu.memory_space<semaphore_mem>>) src(%arg9 : memref<96x128xf32, #tpu.memory_space<vmem>>) dst(%dma_wait3A_76 : memref<10112x128xf32, #tpu.memory_space<vmem_shared>>)
        tpu.yield
      }) : () -> ()
      %add3A_53 = arith.constant 2 : i32
      %add3A_54 = arith.addi %mul3A_40, %add3A_53 : i32
      %lt3A = arith.constant 54 : i32
      %lt3A_55 = arith.cmpi slt, %add3A_54, %lt3A : i32
      %convert_element_type3A = arith.extui %lt3A_55 : i1 to i32
      %cond3A = arith.constant 0 : i32
      %cond3A_56 = arith.cmpi ne, %convert_element_type3A, %cond3A : i32
      scf.if %cond3A_56 {
        %add3A_64 = arith.constant 2 : i32
        %add3A_65 = arith.addi %mul3A_40, %add3A_64 : i32
        %dma_start3A_66 = arith.constant 0 : i32
        %dma_start3A_67 = tpu.memref_slice %arg7[%add3A_65, %dma_start3A_66] : memref<54x96xi32, #tpu.memory_space<vmem>> -> memref<1x96xi32, #tpu.memory_space<vmem>>
        %dma_start3A_68 = tpu.memref_squeeze %dma_start3A_67 : memref<1x96xi32, #tpu.memory_space<vmem>> -> memref<96xi32, #tpu.memory_space<vmem>>
        %dma_start3A_69 = arith.constant 0 : i32
        %dma_start3A_70 = arith.constant 0 : i32
        %dma_start3A_71 = tpu.memref_slice %arg2[%dma_start3A_69, %dma_start3A_70] : memref<20000x128xf32, #tpu.memory_space<hbm>> -> memref<20000x128xf32, #tpu.memory_space<hbm>>
        tpu.enqueue_indirect_dma source(%dma_start3A_71 : memref<20000x128xf32, #tpu.memory_space<hbm>>) target(%arg9 : memref<96x128xf32, #tpu.memory_space<vmem>>) offsets(%dma_start3A_68 : memref<96xi32, #tpu.memory_space<vmem>>) semaphore(%arg12 : memref<!tpu.dma_semaphore, #tpu.memory_space<semaphore_mem>>)
      } else {
      }
      %dma_wait3A_57 = arith.constant 0 : i32
      %dma_wait3A_58 = tpu.memref_slice %arg7[%add3A_41, %dma_wait3A_57] : memref<54x96xi32, #tpu.memory_space<vmem>> -> memref<1x96xi32, #tpu.memory_space<vmem>>
      %dma_wait3A_59 = tpu.memref_squeeze %dma_wait3A_58 : memref<1x96xi32, #tpu.memory_space<vmem>> -> memref<96xi32, #tpu.memory_space<vmem>>
      %dma_wait3A_60 = arith.constant 0 : i32
      %dma_wait3A_61 = arith.constant 0 : i32
      %dma_wait3A_62 = tpu.memref_slice %arg2[%dma_wait3A_60, %dma_wait3A_61] : memref<20000x128xf32, #tpu.memory_space<hbm>> -> memref<20000x128xf32, #tpu.memory_space<hbm>>
      tpu.wait_indirect_dma semaphore(%arg13 : memref<!tpu.dma_semaphore, #tpu.memory_space<semaphore_mem>>) src(%dma_wait3A_62 : memref<20000x128xf32, #tpu.memory_space<hbm>>) dst(%arg10 : memref<96x128xf32, #tpu.memory_space<vmem>>)
      "tpu.region"() ({
        %run_scoped3A_64 = tpu.sem_alloc : memref<!tpu.dma_semaphore, #tpu.memory_space<semaphore_mem>>
        %dma_start3A_65 = arith.constant 0 : i32
        %dma_start3A_66 = tpu.memref_slice %arg8[%add3A_41, %dma_start3A_65] : memref<54x96xi32, #tpu.memory_space<vmem>> -> memref<1x96xi32, #tpu.memory_space<vmem>>
        %dma_start3A_67 = tpu.memref_squeeze %dma_start3A_66 : memref<1x96xi32, #tpu.memory_space<vmem>> -> memref<96xi32, #tpu.memory_space<vmem>>
        %dma_start3A_68 = arith.constant 0 : i32
        %dma_start3A_69 = arith.constant 0 : i32
        %dma_start3A_70 = tpu.memref_slice %arg11[%dma_start3A_68, %dma_start3A_69] : memref<10112x128xf32, #tpu.memory_space<vmem_shared>> -> memref<10112x128xf32, #tpu.memory_space<vmem_shared>>
        tpu.enqueue_indirect_dma source(%arg10 : memref<96x128xf32, #tpu.memory_space<vmem>>) target(%dma_start3A_70 : memref<10112x128xf32, #tpu.memory_space<vmem_shared>>) offsets(%dma_start3A_67 : memref<96xi32, #tpu.memory_space<vmem>>) semaphore(%run_scoped3A_64 : memref<!tpu.dma_semaphore, #tpu.memory_space<semaphore_mem>>) {add = true}
        %dma_wait3A_71 = arith.constant 0 : i32
        %dma_wait3A_72 = tpu.memref_slice %arg8[%add3A_41, %dma_wait3A_71] : memref<54x96xi32, #tpu.memory_space<vmem>> -> memref<1x96xi32, #tpu.memory_space<vmem>>
        %dma_wait3A_73 = tpu.memref_squeeze %dma_wait3A_72 : memref<1x96xi32, #tpu.memory_space<vmem>> -> memref<96xi32, #tpu.memory_space<vmem>>
        %dma_wait3A_74 = arith.constant 0 : i32
        %dma_wait3A_75 = arith.constant 0 : i32
        %dma_wait3A_76 = tpu.memref_slice %arg11[%dma_wait3A_74, %dma_wait3A_75] : memref<10112x128xf32, #tpu.memory_space<vmem_shared>> -> memref<10112x128xf32, #tpu.memory_space<vmem_shared>>
        tpu.wait_indirect_dma semaphore(%run_scoped3A_64 : memref<!tpu.dma_semaphore, #tpu.memory_space<semaphore_mem>>) src(%arg10 : memref<96x128xf32, #tpu.memory_space<vmem>>) dst(%dma_wait3A_76 : memref<10112x128xf32, #tpu.memory_space<vmem_shared>>)
        tpu.yield
      }) : () -> ()
      %scan3A_63 = arith.constant 0 : i32
      scf.yield %scan3A_63 : i32
    }
    %scan3A_31 = arith.constant 27 : i32
    %barrier3A_32 = arith.constant 0 : index
    tpu.barrier barrier_id(%barrier3A_32)
    %mul3A_33 = arith.constant 632 : i32
    %mul3A_34 = arith.muli %arg1, %mul3A_33 : i32
    %mul3A_35 = arith.constant 632 : i32
    %mul3A_36 = arith.muli %arg1, %mul3A_35 : i32
    "tpu.region"() ({
      %run_scoped3A_37 = tpu.sem_alloc : memref<!tpu.dma_semaphore, #tpu.memory_space<semaphore_mem>>
      %dma_start3A_38 = arith.constant 0 : i32
      %dma_start3A_39 = tpu.memref_slice %arg6[%arg0, %mul3A_36, %dma_start3A_38] : memref<2x10112x128xf32, #tpu.memory_space<hbm>> -> memref<1x632x128xf32, #tpu.memory_space<hbm>>
      %dma_start3A_40 = tpu.memref_squeeze %dma_start3A_39 : memref<1x632x128xf32, #tpu.memory_space<hbm>> -> memref<632x128xf32, #tpu.memory_space<hbm>>
      %dma_start3A_41 = arith.constant 0 : i32
      %dma_start3A_42 = tpu.memref_slice %arg11[%mul3A_34, %dma_start3A_41] : memref<10112x128xf32, #tpu.memory_space<vmem_shared>> -> memref<632x128xf32, #tpu.memory_space<vmem_shared>>
      tpu.enqueue_dma source(%dma_start3A_42 : memref<632x128xf32, #tpu.memory_space<vmem_shared>>) target(%dma_start3A_40 : memref<632x128xf32, #tpu.memory_space<hbm>>) target_semaphore(%run_scoped3A_37 : memref<!tpu.dma_semaphore, #tpu.memory_space<semaphore_mem>>)
      %dma_wait3A = arith.constant 0 : i32
      %dma_wait3A_43 = tpu.memref_slice %arg6[%arg0, %mul3A_36, %dma_wait3A] : memref<2x10112x128xf32, #tpu.memory_space<hbm>> -> memref<1x632x128xf32, #tpu.memory_space<hbm>>
      %dma_wait3A_44 = tpu.memref_squeeze %dma_wait3A_43 : memref<1x632x128xf32, #tpu.memory_space<hbm>> -> memref<632x128xf32, #tpu.memory_space<hbm>>
      %dma_wait3A_45 = arith.constant 0 : i32
      %dma_wait3A_46 = tpu.memref_slice %arg11[%mul3A_34, %dma_wait3A_45] : memref<10112x128xf32, #tpu.memory_space<vmem_shared>> -> memref<632x128xf32, #tpu.memory_space<vmem_shared>>
      tpu.wait_dma2 semaphore(%run_scoped3A_37 : memref<!tpu.dma_semaphore, #tpu.memory_space<semaphore_mem>>) src(%dma_wait3A_46 : memref<632x128xf32, #tpu.memory_space<vmem_shared>>) dst(%dma_wait3A_44 : memref<632x128xf32, #tpu.memory_space<hbm>>)
      tpu.yield
    }) : () -> ()
    return
  }
}

#map = affine_map<(d0, d1) -> (0, 0)>
#map1 = affine_map<(d0, d1) -> (0)>
module attributes {stable_mosaic.version = 14 : i64} {
  func.func @sc_gather(%arg0: i32, %arg1: i32, %arg2: memref<10000x128xf32, #tpu.memory_space<hbm>>, %arg3: memref<4096xi32, #tpu.memory_space<hbm>>, %arg4: memref<4096x128xf32, #tpu.memory_space<hbm>>, %arg5: memref<128xi32, #tpu.memory_space<vmem>>, %arg6: memref<128x128xf32, #tpu.memory_space<vmem>>, %arg7: memref<!tpu.dma_semaphore, #tpu.memory_space<semaphore_mem>>) attributes {dimension_semantics = [#tpu.dimension_semantics<core_parallel>, #tpu.dimension_semantics<subcore_parallel>], iteration_bounds = array<i64: 2, 16>, scalar_prefetch = 0 : i64, scratch_operands = 3 : i64, tpu.core_type = #tpu.core_type<sc_vector_subcore>, window_params = [{transform_indices = #map}, {transform_indices = #map1}, {transform_indices = #map}]} {
    %mul3A = arith.constant 16 : i32
    %mul3A_0 = arith.muli %arg0, %mul3A : i32
    %add3A = arith.addi %mul3A_0, %arg1 : i32
    %mul3A_1 = arith.constant 128 : i32
    %mul3A_2 = arith.muli %add3A, %mul3A_1 : i32
    "tpu.region"() ({
      %run_scoped3A = tpu.sem_alloc : memref<!tpu.dma_semaphore, #tpu.memory_space<semaphore_mem>>
      %dma_start3A_9 = tpu.memref_slice %arg3[%mul3A_2] : memref<4096xi32, #tpu.memory_space<hbm>> -> memref<128xi32, #tpu.memory_space<hbm>>
      %dma_start3A_10 = tpu.memref_slice %arg3[%mul3A_2] : memref<4096xi32, #tpu.memory_space<hbm>> -> memref<128xi32, #tpu.memory_space<hbm>>
      tpu.enqueue_dma source(%dma_start3A_10 : memref<128xi32, #tpu.memory_space<hbm>>) target(%arg5 : memref<128xi32, #tpu.memory_space<vmem>>) target_semaphore(%run_scoped3A : memref<!tpu.dma_semaphore, #tpu.memory_space<semaphore_mem>>)
      %dma_wait3A_11 = tpu.memref_slice %arg3[%mul3A_2] : memref<4096xi32, #tpu.memory_space<hbm>> -> memref<128xi32, #tpu.memory_space<hbm>>
      %dma_wait3A_12 = tpu.memref_slice %arg3[%mul3A_2] : memref<4096xi32, #tpu.memory_space<hbm>> -> memref<128xi32, #tpu.memory_space<hbm>>
      tpu.wait_dma2 semaphore(%run_scoped3A : memref<!tpu.dma_semaphore, #tpu.memory_space<semaphore_mem>>) src(%dma_wait3A_12 : memref<128xi32, #tpu.memory_space<hbm>>) dst(%arg5 : memref<128xi32, #tpu.memory_space<vmem>>)
      tpu.yield
    }) : () -> ()
    %dma_start3A = arith.constant 0 : i32
    %dma_start3A_3 = arith.constant 0 : i32
    %dma_start3A_4 = tpu.memref_slice %arg2[%dma_start3A, %dma_start3A_3] : memref<10000x128xf32, #tpu.memory_space<hbm>> -> memref<10000x128xf32, #tpu.memory_space<hbm>>
    tpu.enqueue_indirect_dma source(%dma_start3A_4 : memref<10000x128xf32, #tpu.memory_space<hbm>>) target(%arg6 : memref<128x128xf32, #tpu.memory_space<vmem>>) offsets(%arg5 : memref<128xi32, #tpu.memory_space<vmem>>) semaphore(%arg7 : memref<!tpu.dma_semaphore, #tpu.memory_space<semaphore_mem>>)
    %dma_wait3A = arith.constant 0 : i32
    %dma_wait3A_5 = arith.constant 0 : i32
    %dma_wait3A_6 = tpu.memref_slice %arg2[%dma_wait3A, %dma_wait3A_5] : memref<10000x128xf32, #tpu.memory_space<hbm>> -> memref<10000x128xf32, #tpu.memory_space<hbm>>
    tpu.wait_indirect_dma semaphore(%arg7 : memref<!tpu.dma_semaphore, #tpu.memory_space<semaphore_mem>>) src(%dma_wait3A_6 : memref<10000x128xf32, #tpu.memory_space<hbm>>) dst(%arg6 : memref<128x128xf32, #tpu.memory_space<vmem>>)
    %mul3A_7 = arith.constant 128 : i32
    %mul3A_8 = arith.muli %add3A, %mul3A_7 : i32
    "tpu.region"() ({
      %run_scoped3A = tpu.sem_alloc : memref<!tpu.dma_semaphore, #tpu.memory_space<semaphore_mem>>
      %dma_start3A_9 = arith.constant 0 : i32
      %dma_start3A_10 = tpu.memref_slice %arg4[%mul3A_8, %dma_start3A_9] : memref<4096x128xf32, #tpu.memory_space<hbm>> -> memref<128x128xf32, #tpu.memory_space<hbm>>
      %dma_start3A_11 = arith.constant 0 : i32
      %dma_start3A_12 = tpu.memref_slice %arg4[%mul3A_8, %dma_start3A_11] : memref<4096x128xf32, #tpu.memory_space<hbm>> -> memref<128x128xf32, #tpu.memory_space<hbm>>
      tpu.enqueue_dma source(%arg6 : memref<128x128xf32, #tpu.memory_space<vmem>>) target(%dma_start3A_12 : memref<128x128xf32, #tpu.memory_space<hbm>>) target_semaphore(%run_scoped3A : memref<!tpu.dma_semaphore, #tpu.memory_space<semaphore_mem>>)
      %dma_wait3A_13 = arith.constant 0 : i32
      %dma_wait3A_14 = tpu.memref_slice %arg4[%mul3A_8, %dma_wait3A_13] : memref<4096x128xf32, #tpu.memory_space<hbm>> -> memref<128x128xf32, #tpu.memory_space<hbm>>
      %dma_wait3A_15 = arith.constant 0 : i32
      %dma_wait3A_16 = tpu.memref_slice %arg4[%mul3A_8, %dma_wait3A_15] : memref<4096x128xf32, #tpu.memory_space<hbm>> -> memref<128x128xf32, #tpu.memory_space<hbm>>
      tpu.wait_dma2 semaphore(%run_scoped3A : memref<!tpu.dma_semaphore, #tpu.memory_space<semaphore_mem>>) src(%arg6 : memref<128x128xf32, #tpu.memory_space<vmem>>) dst(%dma_wait3A_16 : memref<128x128xf32, #tpu.memory_space<hbm>>)
      tpu.yield
    }) : () -> ()
    return
  }
}

#map = affine_map<(d0, d1) -> (0, 0)>
#map1 = affine_map<(d0, d1) -> (0, 0, 0)>
module attributes {stable_mosaic.version = 14 : i64} {
  func.func @sc_msg2(%arg0: i32, %arg1: i32, %arg2: memref<10000x128xf32, #tpu.memory_space<hbm>>, %arg3: memref<32x54x96xi32, #tpu.memory_space<hbm>>, %arg4: memref<32x54x96xi32, #tpu.memory_space<hbm>>, %arg5: memref<10112x128xf32, #tpu.memory_space<hbm>>, %arg6: memref<2x10112x128xf32, #tpu.memory_space<hbm>>, %arg7: memref<54x96xi32, #tpu.memory_space<vmem>>, %arg8: memref<54x96xi32, #tpu.memory_space<vmem>>, %arg9: memref<96x128xf32, #tpu.memory_space<vmem>>, %arg10: memref<96x128xf32, #tpu.memory_space<vmem>>, %arg11: memref<10112x128xf32, #tpu.memory_space<vmem_shared>>, %arg12: memref<!tpu.dma_semaphore, #tpu.memory_space<semaphore_mem>>, %arg13: memref<!tpu.dma_semaphore, #tpu.memory_space<semaphore_mem>>) attributes {dimension_semantics = [#tpu.dimension_semantics<core_parallel>, #tpu.dimension_semantics<subcore_parallel>], iteration_bounds = array<i64: 2, 16>, scalar_prefetch = 0 : i64, scratch_operands = 7 : i64, tpu.core_type = #tpu.core_type<sc_vector_subcore>, window_params = [{transform_indices = #map}, {transform_indices = #map1}, {transform_indices = #map1}, {transform_indices = #map}, {transform_indices = #map1}]} {
    %mul3A = arith.constant 16 : i32
    %mul3A_0 = arith.muli %arg0, %mul3A : i32
    %add3A = arith.addi %mul3A_0, %arg1 : i32
    %mul3A_1 = arith.constant 632 : i32
    %mul3A_2 = arith.muli %arg1, %mul3A_1 : i32
    %mul3A_3 = arith.constant 632 : i32
    %mul3A_4 = arith.muli %arg1, %mul3A_3 : i32
    "tpu.region"() ({
      %run_scoped3A = tpu.sem_alloc : memref<!tpu.dma_semaphore, #tpu.memory_space<semaphore_mem>>
      %dma_start3A_22 = arith.constant 0 : i32
      %dma_start3A_23 = tpu.memref_slice %arg11[%mul3A_4, %dma_start3A_22] : memref<10112x128xf32, #tpu.memory_space<vmem_shared>> -> memref<632x128xf32, #tpu.memory_space<vmem_shared>>
      %dma_start3A_24 = arith.constant 0 : i32
      %dma_start3A_25 = tpu.memref_slice %arg5[%mul3A_2, %dma_start3A_24] : memref<10112x128xf32, #tpu.memory_space<hbm>> -> memref<632x128xf32, #tpu.memory_space<hbm>>
      tpu.enqueue_dma source(%dma_start3A_25 : memref<632x128xf32, #tpu.memory_space<hbm>>) target(%dma_start3A_23 : memref<632x128xf32, #tpu.memory_space<vmem_shared>>) target_semaphore(%run_scoped3A : memref<!tpu.dma_semaphore, #tpu.memory_space<semaphore_mem>>)
      %dma_wait3A = arith.constant 0 : i32
      %dma_wait3A_26 = tpu.memref_slice %arg11[%mul3A_4, %dma_wait3A] : memref<10112x128xf32, #tpu.memory_space<vmem_shared>> -> memref<632x128xf32, #tpu.memory_space<vmem_shared>>
      %dma_wait3A_27 = arith.constant 0 : i32
      %dma_wait3A_28 = tpu.memref_slice %arg5[%mul3A_2, %dma_wait3A_27] : memref<10112x128xf32, #tpu.memory_space<hbm>> -> memref<632x128xf32, #tpu.memory_space<hbm>>
      tpu.wait_dma2 semaphore(%run_scoped3A : memref<!tpu.dma_semaphore, #tpu.memory_space<semaphore_mem>>) src(%dma_wait3A_28 : memref<632x128xf32, #tpu.memory_space<hbm>>) dst(%dma_wait3A_26 : memref<632x128xf32, #tpu.memory_space<vmem_shared>>)
      tpu.yield
    }) : () -> ()
    "tpu.region"() ({
      %run_scoped3A = tpu.sem_alloc : memref<!tpu.dma_semaphore, #tpu.memory_space<semaphore_mem>>
      %dma_start3A_22 = arith.constant 0 : i32
      %dma_start3A_23 = arith.constant 0 : i32
      %dma_start3A_24 = tpu.memref_slice %arg3[%add3A, %dma_start3A_22, %dma_start3A_23] : memref<32x54x96xi32, #tpu.memory_space<hbm>> -> memref<1x54x96xi32, #tpu.memory_space<hbm>>
      %dma_start3A_25 = tpu.memref_squeeze %dma_start3A_24 : memref<1x54x96xi32, #tpu.memory_space<hbm>> -> memref<54x96xi32, #tpu.memory_space<hbm>>
      %dma_start3A_26 = arith.constant 0 : i32
      %dma_start3A_27 = arith.constant 0 : i32
      %dma_start3A_28 = tpu.memref_slice %arg3[%add3A, %dma_start3A_26, %dma_start3A_27] : memref<32x54x96xi32, #tpu.memory_space<hbm>> -> memref<1x54x96xi32, #tpu.memory_space<hbm>>
      %dma_start3A_29 = tpu.memref_squeeze %dma_start3A_28 : memref<1x54x96xi32, #tpu.memory_space<hbm>> -> memref<54x96xi32, #tpu.memory_space<hbm>>
      tpu.enqueue_dma source(%dma_start3A_29 : memref<54x96xi32, #tpu.memory_space<hbm>>) target(%arg7 : memref<54x96xi32, #tpu.memory_space<vmem>>) target_semaphore(%run_scoped3A : memref<!tpu.dma_semaphore, #tpu.memory_space<semaphore_mem>>)
      %dma_wait3A = arith.constant 0 : i32
      %dma_wait3A_30 = arith.constant 0 : i32
      %dma_wait3A_31 = tpu.memref_slice %arg3[%add3A, %dma_wait3A, %dma_wait3A_30] : memref<32x54x96xi32, #tpu.memory_space<hbm>> -> memref<1x54x96xi32, #tpu.memory_space<hbm>>
      %dma_wait3A_32 = tpu.memref_squeeze %dma_wait3A_31 : memref<1x54x96xi32, #tpu.memory_space<hbm>> -> memref<54x96xi32, #tpu.memory_space<hbm>>
      %dma_wait3A_33 = arith.constant 0 : i32
      %dma_wait3A_34 = arith.constant 0 : i32
      %dma_wait3A_35 = tpu.memref_slice %arg3[%add3A, %dma_wait3A_33, %dma_wait3A_34] : memref<32x54x96xi32, #tpu.memory_space<hbm>> -> memref<1x54x96xi32, #tpu.memory_space<hbm>>
      %dma_wait3A_36 = tpu.memref_squeeze %dma_wait3A_35 : memref<1x54x96xi32, #tpu.memory_space<hbm>> -> memref<54x96xi32, #tpu.memory_space<hbm>>
      tpu.wait_dma2 semaphore(%run_scoped3A : memref<!tpu.dma_semaphore, #tpu.memory_space<semaphore_mem>>) src(%dma_wait3A_36 : memref<54x96xi32, #tpu.memory_space<hbm>>) dst(%arg7 : memref<54x96xi32, #tpu.memory_space<vmem>>)
      tpu.yield
    }) : () -> ()
    "tpu.region"() ({
      %run_scoped3A = tpu.sem_alloc : memref<!tpu.dma_semaphore, #tpu.memory_space<semaphore_mem>>
      %dma_start3A_22 = arith.constant 0 : i32
      %dma_start3A_23 = arith.constant 0 : i32
      %dma_start3A_24 = tpu.memref_slice %arg4[%add3A, %dma_start3A_22, %dma_start3A_23] : memref<32x54x96xi32, #tpu.memory_space<hbm>> -> memref<1x54x96xi32, #tpu.memory_space<hbm>>
      %dma_start3A_25 = tpu.memref_squeeze %dma_start3A_24 : memref<1x54x96xi32, #tpu.memory_space<hbm>> -> memref<54x96xi32, #tpu.memory_space<hbm>>
      %dma_start3A_26 = arith.constant 0 : i32
      %dma_start3A_27 = arith.constant 0 : i32
      %dma_start3A_28 = tpu.memref_slice %arg4[%add3A, %dma_start3A_26, %dma_start3A_27] : memref<32x54x96xi32, #tpu.memory_space<hbm>> -> memref<1x54x96xi32, #tpu.memory_space<hbm>>
      %dma_start3A_29 = tpu.memref_squeeze %dma_start3A_28 : memref<1x54x96xi32, #tpu.memory_space<hbm>> -> memref<54x96xi32, #tpu.memory_space<hbm>>
      tpu.enqueue_dma source(%dma_start3A_29 : memref<54x96xi32, #tpu.memory_space<hbm>>) target(%arg8 : memref<54x96xi32, #tpu.memory_space<vmem>>) target_semaphore(%run_scoped3A : memref<!tpu.dma_semaphore, #tpu.memory_space<semaphore_mem>>)
      %dma_wait3A = arith.constant 0 : i32
      %dma_wait3A_30 = arith.constant 0 : i32
      %dma_wait3A_31 = tpu.memref_slice %arg4[%add3A, %dma_wait3A, %dma_wait3A_30] : memref<32x54x96xi32, #tpu.memory_space<hbm>> -> memref<1x54x96xi32, #tpu.memory_space<hbm>>
      %dma_wait3A_32 = tpu.memref_squeeze %dma_wait3A_31 : memref<1x54x96xi32, #tpu.memory_space<hbm>> -> memref<54x96xi32, #tpu.memory_space<hbm>>
      %dma_wait3A_33 = arith.constant 0 : i32
      %dma_wait3A_34 = arith.constant 0 : i32
      %dma_wait3A_35 = tpu.memref_slice %arg4[%add3A, %dma_wait3A_33, %dma_wait3A_34] : memref<32x54x96xi32, #tpu.memory_space<hbm>> -> memref<1x54x96xi32, #tpu.memory_space<hbm>>
      %dma_wait3A_36 = tpu.memref_squeeze %dma_wait3A_35 : memref<1x54x96xi32, #tpu.memory_space<hbm>> -> memref<54x96xi32, #tpu.memory_space<hbm>>
      tpu.wait_dma2 semaphore(%run_scoped3A : memref<!tpu.dma_semaphore, #tpu.memory_space<semaphore_mem>>) src(%dma_wait3A_36 : memref<54x96xi32, #tpu.memory_space<hbm>>) dst(%arg8 : memref<54x96xi32, #tpu.memory_space<vmem>>)
      tpu.yield
    }) : () -> ()
    %barrier3A = arith.constant 0 : index
    tpu.barrier barrier_id(%barrier3A)
    %dma_start3A = arith.constant 0 : i32
    %dma_start3A_5 = arith.constant 0 : i32
    %dma_start3A_6 = tpu.memref_slice %arg7[%dma_start3A, %dma_start3A_5] : memref<54x96xi32, #tpu.memory_space<vmem>> -> memref<1x96xi32, #tpu.memory_space<vmem>>
    %dma_start3A_7 = tpu.memref_squeeze %dma_start3A_6 : memref<1x96xi32, #tpu.memory_space<vmem>> -> memref<96xi32, #tpu.memory_space<vmem>>
    %dma_start3A_8 = arith.constant 0 : i32
    %dma_start3A_9 = arith.constant 0 : i32
    %dma_start3A_10 = tpu.memref_slice %arg2[%dma_start3A_8, %dma_start3A_9] : memref<10000x128xf32, #tpu.memory_space<hbm>> -> memref<10000x128xf32, #tpu.memory_space<hbm>>
    tpu.enqueue_indirect_dma source(%dma_start3A_10 : memref<10000x128xf32, #tpu.memory_space<hbm>>) target(%arg9 : memref<96x128xf32, #tpu.memory_space<vmem>>) offsets(%dma_start3A_7 : memref<96xi32, #tpu.memory_space<vmem>>) semaphore(%arg12 : memref<!tpu.dma_semaphore, #tpu.memory_space<semaphore_mem>>)
    %scan3A = arith.constant 0 : i32
    %scan3A_11 = arith.constant 0 : i32
    %scan3A_12 = arith.constant 27 : i32
    %scan3A_13 = arith.addi %scan3A_11, %scan3A_12 : i32
    %scan3A_14 = arith.constant 1 : i32
    %scan3A_15 = scf.for %scan3A_22 = %scan3A_11 to %scan3A_13 step %scan3A_14 iter_args(%scan3A_23 = %scan3A) -> (i32)  : i32 {
      %mul3A_24 = arith.constant 2 : i32
      %mul3A_25 = arith.muli %mul3A_24, %scan3A_22 : i32
      %add3A_26 = arith.constant 1 : i32
      %add3A_27 = arith.addi %mul3A_25, %add3A_26 : i32
      %dma_start3A_28 = arith.constant 0 : i32
      %dma_start3A_29 = tpu.memref_slice %arg7[%add3A_27, %dma_start3A_28] : memref<54x96xi32, #tpu.memory_space<vmem>> -> memref<1x96xi32, #tpu.memory_space<vmem>>
      %dma_start3A_30 = tpu.memref_squeeze %dma_start3A_29 : memref<1x96xi32, #tpu.memory_space<vmem>> -> memref<96xi32, #tpu.memory_space<vmem>>
      %dma_start3A_31 = arith.constant 0 : i32
      %dma_start3A_32 = arith.constant 0 : i32
      %dma_start3A_33 = tpu.memref_slice %arg2[%dma_start3A_31, %dma_start3A_32] : memref<10000x128xf32, #tpu.memory_space<hbm>> -> memref<10000x128xf32, #tpu.memory_space<hbm>>
      tpu.enqueue_indirect_dma source(%dma_start3A_33 : memref<10000x128xf32, #tpu.memory_space<hbm>>) target(%arg10 : memref<96x128xf32, #tpu.memory_space<vmem>>) offsets(%dma_start3A_30 : memref<96xi32, #tpu.memory_space<vmem>>) semaphore(%arg13 : memref<!tpu.dma_semaphore, #tpu.memory_space<semaphore_mem>>)
      %dma_wait3A = arith.constant 0 : i32
      %dma_wait3A_34 = tpu.memref_slice %arg7[%mul3A_25, %dma_wait3A] : memref<54x96xi32, #tpu.memory_space<vmem>> -> memref<1x96xi32, #tpu.memory_space<vmem>>
      %dma_wait3A_35 = tpu.memref_squeeze %dma_wait3A_34 : memref<1x96xi32, #tpu.memory_space<vmem>> -> memref<96xi32, #tpu.memory_space<vmem>>
      %dma_wait3A_36 = arith.constant 0 : i32
      %dma_wait3A_37 = arith.constant 0 : i32
      %dma_wait3A_38 = tpu.memref_slice %arg2[%dma_wait3A_36, %dma_wait3A_37] : memref<10000x128xf32, #tpu.memory_space<hbm>> -> memref<10000x128xf32, #tpu.memory_space<hbm>>
      tpu.wait_indirect_dma semaphore(%arg12 : memref<!tpu.dma_semaphore, #tpu.memory_space<semaphore_mem>>) src(%dma_wait3A_38 : memref<10000x128xf32, #tpu.memory_space<hbm>>) dst(%arg9 : memref<96x128xf32, #tpu.memory_space<vmem>>)
      "tpu.region"() ({
        %run_scoped3A = tpu.sem_alloc : memref<!tpu.dma_semaphore, #tpu.memory_space<semaphore_mem>>
        %dma_start3A_50 = arith.constant 0 : i32
        %dma_start3A_51 = tpu.memref_slice %arg8[%mul3A_25, %dma_start3A_50] : memref<54x96xi32, #tpu.memory_space<vmem>> -> memref<1x96xi32, #tpu.memory_space<vmem>>
        %dma_start3A_52 = tpu.memref_squeeze %dma_start3A_51 : memref<1x96xi32, #tpu.memory_space<vmem>> -> memref<96xi32, #tpu.memory_space<vmem>>
        %dma_start3A_53 = arith.constant 0 : i32
        %dma_start3A_54 = arith.constant 0 : i32
        %dma_start3A_55 = tpu.memref_slice %arg11[%dma_start3A_53, %dma_start3A_54] : memref<10112x128xf32, #tpu.memory_space<vmem_shared>> -> memref<10112x128xf32, #tpu.memory_space<vmem_shared>>
        tpu.enqueue_indirect_dma source(%arg9 : memref<96x128xf32, #tpu.memory_space<vmem>>) target(%dma_start3A_55 : memref<10112x128xf32, #tpu.memory_space<vmem_shared>>) offsets(%dma_start3A_52 : memref<96xi32, #tpu.memory_space<vmem>>) semaphore(%run_scoped3A : memref<!tpu.dma_semaphore, #tpu.memory_space<semaphore_mem>>) {add = true}
        %dma_wait3A_56 = arith.constant 0 : i32
        %dma_wait3A_57 = tpu.memref_slice %arg8[%mul3A_25, %dma_wait3A_56] : memref<54x96xi32, #tpu.memory_space<vmem>> -> memref<1x96xi32, #tpu.memory_space<vmem>>
        %dma_wait3A_58 = tpu.memref_squeeze %dma_wait3A_57 : memref<1x96xi32, #tpu.memory_space<vmem>> -> memref<96xi32, #tpu.memory_space<vmem>>
        %dma_wait3A_59 = arith.constant 0 : i32
        %dma_wait3A_60 = arith.constant 0 : i32
        %dma_wait3A_61 = tpu.memref_slice %arg11[%dma_wait3A_59, %dma_wait3A_60] : memref<10112x128xf32, #tpu.memory_space<vmem_shared>> -> memref<10112x128xf32, #tpu.memory_space<vmem_shared>>
        tpu.wait_indirect_dma semaphore(%run_scoped3A : memref<!tpu.dma_semaphore, #tpu.memory_space<semaphore_mem>>) src(%arg9 : memref<96x128xf32, #tpu.memory_space<vmem>>) dst(%dma_wait3A_61 : memref<10112x128xf32, #tpu.memory_space<vmem_shared>>)
        tpu.yield
      }) : () -> ()
      %add3A_39 = arith.constant 2 : i32
      %add3A_40 = arith.addi %mul3A_25, %add3A_39 : i32
      %lt3A = arith.constant 54 : i32
      %lt3A_41 = arith.cmpi slt, %add3A_40, %lt3A : i32
      %convert_element_type3A = arith.extui %lt3A_41 : i1 to i32
      %cond3A = arith.constant 0 : i32
      %cond3A_42 = arith.cmpi ne, %convert_element_type3A, %cond3A : i32
      scf.if %cond3A_42 {
        %add3A_50 = arith.constant 2 : i32
        %add3A_51 = arith.addi %mul3A_25, %add3A_50 : i32
        %dma_start3A_52 = arith.constant 0 : i32
        %dma_start3A_53 = tpu.memref_slice %arg7[%add3A_51, %dma_start3A_52] : memref<54x96xi32, #tpu.memory_space<vmem>> -> memref<1x96xi32, #tpu.memory_space<vmem>>
        %dma_start3A_54 = tpu.memref_squeeze %dma_start3A_53 : memref<1x96xi32, #tpu.memory_space<vmem>> -> memref<96xi32, #tpu.memory_space<vmem>>
        %dma_start3A_55 = arith.constant 0 : i32
        %dma_start3A_56 = arith.constant 0 : i32
        %dma_start3A_57 = tpu.memref_slice %arg2[%dma_start3A_55, %dma_start3A_56] : memref<10000x128xf32, #tpu.memory_space<hbm>> -> memref<10000x128xf32, #tpu.memory_space<hbm>>
        tpu.enqueue_indirect_dma source(%dma_start3A_57 : memref<10000x128xf32, #tpu.memory_space<hbm>>) target(%arg9 : memref<96x128xf32, #tpu.memory_space<vmem>>) offsets(%dma_start3A_54 : memref<96xi32, #tpu.memory_space<vmem>>) semaphore(%arg12 : memref<!tpu.dma_semaphore, #tpu.memory_space<semaphore_mem>>)
      } else {
      }
      %dma_wait3A_43 = arith.constant 0 : i32
      %dma_wait3A_44 = tpu.memref_slice %arg7[%add3A_27, %dma_wait3A_43] : memref<54x96xi32, #tpu.memory_space<vmem>> -> memref<1x96xi32, #tpu.memory_space<vmem>>
      %dma_wait3A_45 = tpu.memref_squeeze %dma_wait3A_44 : memref<1x96xi32, #tpu.memory_space<vmem>> -> memref<96xi32, #tpu.memory_space<vmem>>
      %dma_wait3A_46 = arith.constant 0 : i32
      %dma_wait3A_47 = arith.constant 0 : i32
      %dma_wait3A_48 = tpu.memref_slice %arg2[%dma_wait3A_46, %dma_wait3A_47] : memref<10000x128xf32, #tpu.memory_space<hbm>> -> memref<10000x128xf32, #tpu.memory_space<hbm>>
      tpu.wait_indirect_dma semaphore(%arg13 : memref<!tpu.dma_semaphore, #tpu.memory_space<semaphore_mem>>) src(%dma_wait3A_48 : memref<10000x128xf32, #tpu.memory_space<hbm>>) dst(%arg10 : memref<96x128xf32, #tpu.memory_space<vmem>>)
      "tpu.region"() ({
        %run_scoped3A = tpu.sem_alloc : memref<!tpu.dma_semaphore, #tpu.memory_space<semaphore_mem>>
        %dma_start3A_50 = arith.constant 0 : i32
        %dma_start3A_51 = tpu.memref_slice %arg8[%add3A_27, %dma_start3A_50] : memref<54x96xi32, #tpu.memory_space<vmem>> -> memref<1x96xi32, #tpu.memory_space<vmem>>
        %dma_start3A_52 = tpu.memref_squeeze %dma_start3A_51 : memref<1x96xi32, #tpu.memory_space<vmem>> -> memref<96xi32, #tpu.memory_space<vmem>>
        %dma_start3A_53 = arith.constant 0 : i32
        %dma_start3A_54 = arith.constant 0 : i32
        %dma_start3A_55 = tpu.memref_slice %arg11[%dma_start3A_53, %dma_start3A_54] : memref<10112x128xf32, #tpu.memory_space<vmem_shared>> -> memref<10112x128xf32, #tpu.memory_space<vmem_shared>>
        tpu.enqueue_indirect_dma source(%arg10 : memref<96x128xf32, #tpu.memory_space<vmem>>) target(%dma_start3A_55 : memref<10112x128xf32, #tpu.memory_space<vmem_shared>>) offsets(%dma_start3A_52 : memref<96xi32, #tpu.memory_space<vmem>>) semaphore(%run_scoped3A : memref<!tpu.dma_semaphore, #tpu.memory_space<semaphore_mem>>) {add = true}
        %dma_wait3A_56 = arith.constant 0 : i32
        %dma_wait3A_57 = tpu.memref_slice %arg8[%add3A_27, %dma_wait3A_56] : memref<54x96xi32, #tpu.memory_space<vmem>> -> memref<1x96xi32, #tpu.memory_space<vmem>>
        %dma_wait3A_58 = tpu.memref_squeeze %dma_wait3A_57 : memref<1x96xi32, #tpu.memory_space<vmem>> -> memref<96xi32, #tpu.memory_space<vmem>>
        %dma_wait3A_59 = arith.constant 0 : i32
        %dma_wait3A_60 = arith.constant 0 : i32
        %dma_wait3A_61 = tpu.memref_slice %arg11[%dma_wait3A_59, %dma_wait3A_60] : memref<10112x128xf32, #tpu.memory_space<vmem_shared>> -> memref<10112x128xf32, #tpu.memory_space<vmem_shared>>
        tpu.wait_indirect_dma semaphore(%run_scoped3A : memref<!tpu.dma_semaphore, #tpu.memory_space<semaphore_mem>>) src(%arg10 : memref<96x128xf32, #tpu.memory_space<vmem>>) dst(%dma_wait3A_61 : memref<10112x128xf32, #tpu.memory_space<vmem_shared>>)
        tpu.yield
      }) : () -> ()
      %scan3A_49 = arith.constant 0 : i32
      scf.yield %scan3A_49 : i32
    }
    %scan3A_16 = arith.constant 27 : i32
    %barrier3A_17 = arith.constant 0 : index
    tpu.barrier barrier_id(%barrier3A_17)
    %mul3A_18 = arith.constant 632 : i32
    %mul3A_19 = arith.muli %arg1, %mul3A_18 : i32
    %mul3A_20 = arith.constant 632 : i32
    %mul3A_21 = arith.muli %arg1, %mul3A_20 : i32
    "tpu.region"() ({
      %run_scoped3A = tpu.sem_alloc : memref<!tpu.dma_semaphore, #tpu.memory_space<semaphore_mem>>
      %dma_start3A_22 = arith.constant 0 : i32
      %dma_start3A_23 = tpu.memref_slice %arg6[%arg0, %mul3A_21, %dma_start3A_22] : memref<2x10112x128xf32, #tpu.memory_space<hbm>> -> memref<1x632x128xf32, #tpu.memory_space<hbm>>
      %dma_start3A_24 = tpu.memref_squeeze %dma_start3A_23 : memref<1x632x128xf32, #tpu.memory_space<hbm>> -> memref<632x128xf32, #tpu.memory_space<hbm>>
      %dma_start3A_25 = arith.constant 0 : i32
      %dma_start3A_26 = tpu.memref_slice %arg11[%mul3A_19, %dma_start3A_25] : memref<10112x128xf32, #tpu.memory_space<vmem_shared>> -> memref<632x128xf32, #tpu.memory_space<vmem_shared>>
      tpu.enqueue_dma source(%dma_start3A_26 : memref<632x128xf32, #tpu.memory_space<vmem_shared>>) target(%dma_start3A_24 : memref<632x128xf32, #tpu.memory_space<hbm>>) target_semaphore(%run_scoped3A : memref<!tpu.dma_semaphore, #tpu.memory_space<semaphore_mem>>)
      %dma_wait3A = arith.constant 0 : i32
      %dma_wait3A_27 = tpu.memref_slice %arg6[%arg0, %mul3A_21, %dma_wait3A] : memref<2x10112x128xf32, #tpu.memory_space<hbm>> -> memref<1x632x128xf32, #tpu.memory_space<hbm>>
      %dma_wait3A_28 = tpu.memref_squeeze %dma_wait3A_27 : memref<1x632x128xf32, #tpu.memory_space<hbm>> -> memref<632x128xf32, #tpu.memory_space<hbm>>
      %dma_wait3A_29 = arith.constant 0 : i32
      %dma_wait3A_30 = tpu.memref_slice %arg11[%mul3A_19, %dma_wait3A_29] : memref<10112x128xf32, #tpu.memory_space<vmem_shared>> -> memref<632x128xf32, #tpu.memory_space<vmem_shared>>
      tpu.wait_dma2 semaphore(%run_scoped3A : memref<!tpu.dma_semaphore, #tpu.memory_space<semaphore_mem>>) src(%dma_wait3A_30 : memref<632x128xf32, #tpu.memory_space<vmem_shared>>) dst(%dma_wait3A_28 : memref<632x128xf32, #tpu.memory_space<hbm>>)
      tpu.yield
    }) : () -> ()
    return
  }
}

module attributes {stable_mosaic.version = 14 : i64} {
  func.func @_tc_l1_body(%arg0: i32, %arg1: memref<2000x256xf32, #tpu.memory_space<vmem>>, %arg2: memref<256x256xf32, #tpu.memory_space<vmem>>, %arg3: memref<2x2000x8xf32, #tpu.memory_space<vmem>>, %arg4: memref<2x2000x128xf32, #tpu.memory_space<vmem>>, %arg5: memref<2000x8xf32, #tpu.memory_space<vmem>>) attributes {dimension_semantics = [#tpu.dimension_semantics<arbitrary>], iteration_bounds = array<i64: 5>, scalar_prefetch = 0 : i64, scratch_operands = 0 : i64, tpu.core_type = #tpu.core_type<tc>, window_params = [{transform_indices = @transform_0, window_bounds = array<i64: 2000, 256>}, {pipeline_mode = #tpu.pipeline_mode<synchronous>, transform_indices = @transform_1, window_bounds = array<i64: 256, 256>}, {transform_indices = @transform_2, window_bounds = array<i64: 2, 2000, 8>}, {transform_indices = @transform_3, window_bounds = array<i64: 2, 2000, 128>}, {transform_indices = @transform_4, window_bounds = array<i64: 2000, 8>}]} {
    %get3A = arith.constant 0 : index
    %get3A_0 = arith.constant 0 : index
    %get3A_1 = arith.constant 0 : index
    %get3A_2 = vector.load %arg3[%get3A, %get3A_0, %get3A_1] : memref<2x2000x8xf32, #tpu.memory_space<vmem>>, vector<1x2000x1xf32>
    %get3A_3 = vector.shape_cast %get3A_2 : vector<1x2000x1xf32> to vector<2000x1xf32>
    %get3A_4 = arith.constant 1 : index
    %get3A_5 = arith.constant 0 : index
    %get3A_6 = arith.constant 0 : index
    %get3A_7 = vector.load %arg3[%get3A_4, %get3A_5, %get3A_6] : memref<2x2000x8xf32, #tpu.memory_space<vmem>>, vector<1x2000x1xf32>
    %get3A_8 = vector.shape_cast %get3A_7 : vector<1x2000x1xf32> to vector<2000x1xf32>
    %add3A = arith.addf %get3A_3, %get3A_8 : vector<2000x1xf32>
    %add3A_9 = arith.constant 1.000000e+00 : f32
    %add3A_10 = vector.broadcast %add3A_9 : f32 to vector<2000x1xf32>
    %add3A_11 = arith.addf %add3A, %add3A_10 : vector<2000x1xf32>
    %rsqrt3A = math.rsqrt %add3A_11 : vector<2000x1xf32>
    %get3A_12 = arith.constant 0 : index
    %get3A_13 = arith.constant 0 : index
    %get3A_14 = vector.load %arg1[%get3A_12, %get3A_13] : memref<2000x256xf32, #tpu.memory_space<vmem>>, vector<2000x256xf32>
    %get3A_15 = arith.constant 0 : index
    %get3A_16 = arith.constant 0 : index
    %get3A_17 = vector.load %arg2[%get3A_15, %get3A_16] : memref<256x256xf32, #tpu.memory_space<vmem>>, vector<256x256xf32>
    %dot_general3A = arith.constant dense<0.000000e+00> : vector<2000x256xf32>
    %dot_general3A_18 = tpu.matmul %get3A_14, %get3A_17, %dot_general3A {dimension_numbers = #tpu.dot_dimension_numbers<[1], [0], [0], [1], [0, 0, 1, 1], [], []>, transpose_lhs_hint = false} : vector<2000x256xf32>, vector<256x256xf32>, vector<2000x256xf32> -> vector<2000x256xf32>
    %mul3A = vector.broadcast %rsqrt3A : vector<2000x1xf32> to vector<2000x256xf32>
    %mul3A_19 = arith.mulf %dot_general3A_18, %mul3A : vector<2000x256xf32>
    %slice3A = vector.extract_strided_slice %mul3A_19 {offsets = [0, 0], sizes = [2000, 128], strides = [1, 1]} : vector<2000x256xf32> to vector<2000x128xf32>
    %swap3A = arith.constant 0 : index
    %swap3A_20 = arith.constant 0 : index
    %swap3A_21 = arith.constant 0 : index
    %swap3A_22 = vector.load %arg4[%swap3A, %swap3A_20, %swap3A_21] : memref<2x2000x128xf32, #tpu.memory_space<vmem>>, vector<1x2000x128xf32>
    %swap3A_23 = vector.shape_cast %swap3A_22 : vector<1x2000x128xf32> to vector<2000x128xf32>
    %swap3A_24 = vector.shape_cast %slice3A : vector<2000x128xf32> to vector<1x2000x128xf32>
    tpu.vector_store %arg4[%swap3A, %swap3A_20, %swap3A_21], %swap3A_24 {strides = array<i32>} : memref<2x2000x128xf32, #tpu.memory_space<vmem>>, vector<1x2000x128xf32>,
    %slice3A_25 = vector.extract_strided_slice %mul3A_19 {offsets = [0, 128], sizes = [2000, 128], strides = [1, 1]} : vector<2000x256xf32> to vector<2000x128xf32>
    %swap3A_26 = arith.constant 1 : index
    %swap3A_27 = arith.constant 0 : index
    %swap3A_28 = arith.constant 0 : index
    %swap3A_29 = vector.load %arg4[%swap3A_26, %swap3A_27, %swap3A_28] : memref<2x2000x128xf32, #tpu.memory_space<vmem>>, vector<1x2000x128xf32>
    %swap3A_30 = vector.shape_cast %swap3A_29 : vector<1x2000x128xf32> to vector<2000x128xf32>
    %swap3A_31 = vector.shape_cast %slice3A_25 : vector<2000x128xf32> to vector<1x2000x128xf32>
    tpu.vector_store %arg4[%swap3A_26, %swap3A_27, %swap3A_28], %swap3A_31 {strides = array<i32>} : memref<2x2000x128xf32, #tpu.memory_space<vmem>>, vector<1x2000x128xf32>,
    %broadcast_in_dim3A = vector.shape_cast %rsqrt3A : vector<2000x1xf32> to vector<2000x1xf32>
    %broadcast_in_dim3A_32 = vector.broadcast %broadcast_in_dim3A : vector<2000x1xf32> to vector<2000x8xf32>
    %swap3A_33 = arith.constant 0 : index
    %swap3A_34 = arith.constant 0 : index
    %swap3A_35 = vector.load %arg5[%swap3A_33, %swap3A_34] : memref<2000x8xf32, #tpu.memory_space<vmem>>, vector<2000x8xf32>
    tpu.vector_store %arg5[%swap3A_33, %swap3A_34], %broadcast_in_dim3A_32 {strides = array<i32>} : memref<2000x8xf32, #tpu.memory_space<vmem>>, vector<2000x8xf32>,
    return
  }
  func.func @transform_0(%arg0: i32) -> (i32, i32) {
    %c0_i32 = arith.constant 0 : i32
    %c0_i32_0 = arith.constant 0 : i32
    return %arg0, %c0_i32 : i32, i32
  }
  func.func @transform_1(%arg0: i32) -> (i32, i32) {
    %c0_i32 = arith.constant 0 : i32
    %c0_i32_0 = arith.constant 0 : i32
    %c0_i32_1 = arith.constant 0 : i32
    return %c0_i32, %c0_i32_0 : i32, i32
  }
  func.func @transform_2(%arg0: i32) -> (i32, i32, i32) {
    %c0_i32 = arith.constant 0 : i32
    %c0_i32_0 = arith.constant 0 : i32
    %c0_i32_1 = arith.constant 0 : i32
    return %c0_i32, %arg0, %c0_i32_0 : i32, i32, i32
  }
  func.func @transform_3(%arg0: i32) -> (i32, i32, i32) {
    %c0_i32 = arith.constant 0 : i32
    %c0_i32_0 = arith.constant 0 : i32
    %c0_i32_1 = arith.constant 0 : i32
    return %c0_i32, %arg0, %c0_i32_0 : i32, i32, i32
  }
  func.func @transform_4(%arg0: i32) -> (i32, i32) {
    %c0_i32 = arith.constant 0 : i32
    %c0_i32_0 = arith.constant 0 : i32
    return %arg0, %c0_i32 : i32, i32
  }
}

module attributes {stable_mosaic.version = 14 : i64} {
  func.func @_tc_l2_body(%arg0: i32, %arg1: memref<2x2000x128xf32, #tpu.memory_space<vmem>>, %arg2: memref<2x2000x128xf32, #tpu.memory_space<vmem>>, %arg3: memref<2000x8xf32, #tpu.memory_space<vmem>>, %arg4: memref<1x256xf32, #tpu.memory_space<vmem>>, %arg5: memref<256x128xf32, #tpu.memory_space<vmem>>, %arg6: memref<2000x128xf32, #tpu.memory_space<vmem>>) attributes {dimension_semantics = [#tpu.dimension_semantics<arbitrary>], iteration_bounds = array<i64: 5>, scalar_prefetch = 0 : i64, scratch_operands = 0 : i64, tpu.core_type = #tpu.core_type<tc>, window_params = [{transform_indices = @transform_0, window_bounds = array<i64: 2, 2000, 128>}, {transform_indices = @transform_1, window_bounds = array<i64: 2, 2000, 128>}, {transform_indices = @transform_2, window_bounds = array<i64: 2000, 8>}, {pipeline_mode = #tpu.pipeline_mode<synchronous>, transform_indices = @transform_3, window_bounds = array<i64: 1, 256>}, {pipeline_mode = #tpu.pipeline_mode<synchronous>, transform_indices = @transform_4, window_bounds = array<i64: 256, 128>}, {transform_indices = @transform_5, window_bounds = array<i64: 2000, 128>}]} {
    %get3A = arith.constant 0 : index
    %get3A_0 = arith.constant 0 : index
    %get3A_1 = vector.load %arg3[%get3A, %get3A_0] : memref<2000x8xf32, #tpu.memory_space<vmem>>, vector<2000x1xf32>
    %get3A_2 = arith.constant 0 : index
    %get3A_3 = arith.constant 0 : index
    %get3A_4 = arith.constant 0 : index
    %get3A_5 = vector.load %arg1[%get3A_2, %get3A_3, %get3A_4] : memref<2x2000x128xf32, #tpu.memory_space<vmem>>, vector<1x2000x128xf32>
    %get3A_6 = vector.shape_cast %get3A_5 : vector<1x2000x128xf32> to vector<2000x128xf32>
    %get3A_7 = arith.constant 0 : index
    %get3A_8 = arith.constant 0 : index
    %get3A_9 = arith.constant 0 : index
    %get3A_10 = vector.load %arg2[%get3A_7, %get3A_8, %get3A_9] : memref<2x2000x128xf32, #tpu.memory_space<vmem>>, vector<1x2000x128xf32>
    %get3A_11 = vector.shape_cast %get3A_10 : vector<1x2000x128xf32> to vector<2000x128xf32>
    %add3A = arith.addf %get3A_6, %get3A_11 : vector<2000x128xf32>
    %mul3A = vector.broadcast %get3A_1 : vector<2000x1xf32> to vector<2000x128xf32>
    %mul3A_12 = arith.mulf %mul3A, %add3A : vector<2000x128xf32>
    %get3A_13 = arith.constant 0 : index
    %get3A_14 = arith.constant 0 : index
    %get3A_15 = vector.load %arg4[%get3A_13, %get3A_14] : memref<1x256xf32, #tpu.memory_space<vmem>>, vector<1x128xf32>
    %get3A_16 = vector.shape_cast %get3A_15 : vector<1x128xf32> to vector<128xf32>
    %broadcast_in_dim3A = vector.shape_cast %get3A_16 : vector<128xf32> to vector<1x128xf32>
    %add3A_17 = vector.broadcast %broadcast_in_dim3A : vector<1x128xf32> to vector<2000x128xf32>
    %add3A_18 = arith.addf %mul3A_12, %add3A_17 : vector<2000x128xf32>
    %max3A = arith.constant 0.000000e+00 : f32
    %max3A_19 = vector.broadcast %max3A : f32 to vector<2000x128xf32>
    %max3A_20 = arith.maximumf %add3A_18, %max3A_19 : vector<2000x128xf32>
    %get3A_21 = arith.constant 1 : index
    %get3A_22 = arith.constant 0 : index
    %get3A_23 = arith.constant 0 : index
    %get3A_24 = vector.load %arg1[%get3A_21, %get3A_22, %get3A_23] : memref<2x2000x128xf32, #tpu.memory_space<vmem>>, vector<1x2000x128xf32>
    %get3A_25 = vector.shape_cast %get3A_24 : vector<1x2000x128xf32> to vector<2000x128xf32>
    %get3A_26 = arith.constant 1 : index
    %get3A_27 = arith.constant 0 : index
    %get3A_28 = arith.constant 0 : index
    %get3A_29 = vector.load %arg2[%get3A_26, %get3A_27, %get3A_28] : memref<2x2000x128xf32, #tpu.memory_space<vmem>>, vector<1x2000x128xf32>
    %get3A_30 = vector.shape_cast %get3A_29 : vector<1x2000x128xf32> to vector<2000x128xf32>
    %add3A_31 = arith.addf %get3A_25, %get3A_30 : vector<2000x128xf32>
    %mul3A_32 = vector.broadcast %get3A_1 : vector<2000x1xf32> to vector<2000x128xf32>
    %mul3A_33 = arith.mulf %mul3A_32, %add3A_31 : vector<2000x128xf32>
    %get3A_34 = arith.constant 0 : index
    %get3A_35 = arith.constant 128 : index
    %get3A_36 = vector.load %arg4[%get3A_34, %get3A_35] : memref<1x256xf32, #tpu.memory_space<vmem>>, vector<1x128xf32>
    %get3A_37 = vector.shape_cast %get3A_36 : vector<1x128xf32> to vector<128xf32>
    %broadcast_in_dim3A_38 = vector.shape_cast %get3A_37 : vector<128xf32> to vector<1x128xf32>
    %add3A_39 = vector.broadcast %broadcast_in_dim3A_38 : vector<1x128xf32> to vector<2000x128xf32>
    %add3A_40 = arith.addf %mul3A_33, %add3A_39 : vector<2000x128xf32>
    %max3A_41 = arith.constant 0.000000e+00 : f32
    %max3A_42 = vector.broadcast %max3A_41 : f32 to vector<2000x128xf32>
    %max3A_43 = arith.maximumf %add3A_40, %max3A_42 : vector<2000x128xf32>
    %get3A_44 = arith.constant 0 : index
    %get3A_45 = arith.constant 0 : index
    %get3A_46 = vector.load %arg5[%get3A_44, %get3A_45] : memref<256x128xf32, #tpu.memory_space<vmem>>, vector<128x128xf32>
    %dot_general3A = arith.constant dense<0.000000e+00> : vector<2000x128xf32>
    %dot_general3A_47 = tpu.matmul %max3A_20, %get3A_46, %dot_general3A {dimension_numbers = #tpu.dot_dimension_numbers<[1], [0], [0], [1], [0, 0, 1, 1], [], []>, transpose_lhs_hint = false} : vector<2000x128xf32>, vector<128x128xf32>, vector<2000x128xf32> -> vector<2000x128xf32>
    %get3A_48 = arith.constant 128 : index
    %get3A_49 = arith.constant 0 : index
    %get3A_50 = vector.load %arg5[%get3A_48, %get3A_49] : memref<256x128xf32, #tpu.memory_space<vmem>>, vector<128x128xf32>
    %dot_general3A_51 = arith.constant dense<0.000000e+00> : vector<2000x128xf32>
    %dot_general3A_52 = tpu.matmul %max3A_43, %get3A_50, %dot_general3A_51 {dimension_numbers = #tpu.dot_dimension_numbers<[1], [0], [0], [1], [0, 0, 1, 1], [], []>, transpose_lhs_hint = false} : vector<2000x128xf32>, vector<128x128xf32>, vector<2000x128xf32> -> vector<2000x128xf32>
    %add3A_53 = arith.addf %dot_general3A_47, %dot_general3A_52 : vector<2000x128xf32>
    %mul3A_54 = vector.broadcast %get3A_1 : vector<2000x1xf32> to vector<2000x128xf32>
    %mul3A_55 = arith.mulf %add3A_53, %mul3A_54 : vector<2000x128xf32>
    %swap3A = arith.constant 0 : index
    %swap3A_56 = arith.constant 0 : index
    %swap3A_57 = vector.load %arg6[%swap3A, %swap3A_56] : memref<2000x128xf32, #tpu.memory_space<vmem>>, vector<2000x128xf32>
    tpu.vector_store %arg6[%swap3A, %swap3A_56], %mul3A_55 {strides = array<i32>} : memref<2000x128xf32, #tpu.memory_space<vmem>>, vector<2000x128xf32>,
    return
  }
  func.func @transform_0(%arg0: i32) -> (i32, i32, i32) {
    %c0_i32 = arith.constant 0 : i32
    %c0_i32_0 = arith.constant 0 : i32
    %c0_i32_1 = arith.constant 0 : i32
    return %c0_i32, %arg0, %c0_i32_0 : i32, i32, i32
  }
  func.func @transform_1(%arg0: i32) -> (i32, i32, i32) {
    %c0_i32 = arith.constant 0 : i32
    %c0_i32_0 = arith.constant 0 : i32
    %c0_i32_1 = arith.constant 0 : i32
    return %c0_i32, %arg0, %c0_i32_0 : i32, i32, i32
  }
  func.func @transform_2(%arg0: i32) -> (i32, i32) {
    %c0_i32 = arith.constant 0 : i32
    %c0_i32_0 = arith.constant 0 : i32
    return %arg0, %c0_i32 : i32, i32
  }
  func.func @transform_3(%arg0: i32) -> (i32, i32) {
    %c0_i32 = arith.constant 0 : i32
    %c0_i32_0 = arith.constant 0 : i32
    %c0_i32_1 = arith.constant 0 : i32
    return %c0_i32, %c0_i32_0 : i32, i32
  }
  func.func @transform_4(%arg0: i32) -> (i32, i32) {
    %c0_i32 = arith.constant 0 : i32
    %c0_i32_0 = arith.constant 0 : i32
    %c0_i32_1 = arith.constant 0 : i32
    return %c0_i32, %c0_i32_0 : i32, i32
  }
  func.func @transform_5(%arg0: i32) -> (i32, i32) {
    %c0_i32 = arith.constant 0 : i32
    %c0_i32_0 = arith.constant 0 : i32
    return %arg0, %c0_i32 : i32, i32
  }
}

module attributes {stable_mosaic.version = 14 : i64} {
  func.func @_tc_emb_body(%arg0: i32, %arg1: memref<2x2000x128xf32, #tpu.memory_space<vmem>>, %arg2: memref<2000x128xf32, #tpu.memory_space<vmem>>, %arg3: memref<2000x8xf32, #tpu.memory_space<vmem>>, %arg4: memref<1x128xf32, #tpu.memory_space<vmem>>, %arg5: memref<2000x128xf32, #tpu.memory_space<vmem>>) attributes {dimension_semantics = [#tpu.dimension_semantics<arbitrary>], iteration_bounds = array<i64: 5>, scalar_prefetch = 0 : i64, scratch_operands = 0 : i64, tpu.core_type = #tpu.core_type<tc>, window_params = [{transform_indices = @transform_0, window_bounds = array<i64: 2, 2000, 128>}, {transform_indices = @transform_1, window_bounds = array<i64: 2000, 128>}, {transform_indices = @transform_2, window_bounds = array<i64: 2000, 8>}, {pipeline_mode = #tpu.pipeline_mode<synchronous>, transform_indices = @transform_3, window_bounds = array<i64: 1, 128>}, {transform_indices = @transform_4, window_bounds = array<i64: 2000, 128>}]} {
    %get3A = arith.constant 0 : index
    %get3A_0 = arith.constant 0 : index
    %get3A_1 = vector.load %arg3[%get3A, %get3A_0] : memref<2000x8xf32, #tpu.memory_space<vmem>>, vector<2000x1xf32>
    %get3A_2 = arith.constant 0 : index
    %get3A_3 = arith.constant 0 : index
    %get3A_4 = arith.constant 0 : index
    %get3A_5 = vector.load %arg1[%get3A_2, %get3A_3, %get3A_4] : memref<2x2000x128xf32, #tpu.memory_space<vmem>>, vector<1x2000x128xf32>
    %get3A_6 = vector.shape_cast %get3A_5 : vector<1x2000x128xf32> to vector<2000x128xf32>
    %get3A_7 = arith.constant 1 : index
    %get3A_8 = arith.constant 0 : index
    %get3A_9 = arith.constant 0 : index
    %get3A_10 = vector.load %arg1[%get3A_7, %get3A_8, %get3A_9] : memref<2x2000x128xf32, #tpu.memory_space<vmem>>, vector<1x2000x128xf32>
    %get3A_11 = vector.shape_cast %get3A_10 : vector<1x2000x128xf32> to vector<2000x128xf32>
    %add3A = arith.addf %get3A_6, %get3A_11 : vector<2000x128xf32>
    %get3A_12 = arith.constant 0 : index
    %get3A_13 = arith.constant 0 : index
    %get3A_14 = vector.load %arg2[%get3A_12, %get3A_13] : memref<2000x128xf32, #tpu.memory_space<vmem>>, vector<2000x128xf32>
    %add3A_15 = arith.addf %add3A, %get3A_14 : vector<2000x128xf32>
    %mul3A = vector.broadcast %get3A_1 : vector<2000x1xf32> to vector<2000x128xf32>
    %mul3A_16 = arith.mulf %mul3A, %add3A_15 : vector<2000x128xf32>
    %get3A_17 = arith.constant 0 : index
    %get3A_18 = arith.constant 0 : index
    %get3A_19 = vector.load %arg4[%get3A_17, %get3A_18] : memref<1x128xf32, #tpu.memory_space<vmem>>, vector<1x128xf32>
    %add3A_20 = vector.broadcast %get3A_19 : vector<1x128xf32> to vector<2000x128xf32>
    %add3A_21 = arith.addf %mul3A_16, %add3A_20 : vector<2000x128xf32>
    %swap3A = arith.constant 0 : index
    %swap3A_22 = arith.constant 0 : index
    %swap3A_23 = vector.load %arg5[%swap3A, %swap3A_22] : memref<2000x128xf32, #tpu.memory_space<vmem>>, vector<2000x128xf32>
    tpu.vector_store %arg5[%swap3A, %swap3A_22], %add3A_21 {strides = array<i32>} : memref<2000x128xf32, #tpu.memory_space<vmem>>, vector<2000x128xf32>,
    return
  }
  func.func @transform_0(%arg0: i32) -> (i32, i32, i32) {
    %c0_i32 = arith.constant 0 : i32
    %c0_i32_0 = arith.constant 0 : i32
    %c0_i32_1 = arith.constant 0 : i32
    return %c0_i32, %arg0, %c0_i32_0 : i32, i32, i32
  }
  func.func @transform_1(%arg0: i32) -> (i32, i32) {
    %c0_i32 = arith.constant 0 : i32
    %c0_i32_0 = arith.constant 0 : i32
    return %arg0, %c0_i32 : i32, i32
  }
  func.func @transform_2(%arg0: i32) -> (i32, i32) {
    %c0_i32 = arith.constant 0 : i32
    %c0_i32_0 = arith.constant 0 : i32
    return %arg0, %c0_i32 : i32, i32
  }
  func.func @transform_3(%arg0: i32) -> (i32, i32) {
    %c0_i32 = arith.constant 0 : i32
    %c0_i32_0 = arith.constant 0 : i32
    %c0_i32_1 = arith.constant 0 : i32
    return %c0_i32, %c0_i32_0 : i32, i32
  }
  func.func @transform_4(%arg0: i32) -> (i32, i32) {
    %c0_i32 = arith.constant 0 : i32
    %c0_i32_0 = arith.constant 0 : i32
    return %arg0, %c0_i32 : i32, i32
  }
}

module attributes {stable_mosaic.version = 14 : i64} {
  func.func @_tc_mlp_body(%arg0: i32, %arg1: memref<2048x256xf32, #tpu.memory_space<vmem>>, %arg2: memref<2048x128xf32, #tpu.memory_space<vmem>>, %arg3: memref<256x256xf32, #tpu.memory_space<vmem>>, %arg4: memref<1x256xf32, #tpu.memory_space<vmem>>, %arg5: memref<256x128xf32, #tpu.memory_space<vmem>>, %arg6: memref<1x128xf32, #tpu.memory_space<vmem>>, %arg7: memref<256x256xf32, #tpu.memory_space<vmem>>, %arg8: memref<1x256xf32, #tpu.memory_space<vmem>>, %arg9: memref<256x128xf32, #tpu.memory_space<vmem>>, %arg10: memref<1x128xf32, #tpu.memory_space<vmem>>, %arg11: memref<128x1xf32, #tpu.memory_space<vmem>>, %arg12: memref<1x1xf32, #tpu.memory_space<vmem>>, %arg13: memref<2048x1xf32, #tpu.memory_space<vmem>>) attributes {dimension_semantics = [#tpu.dimension_semantics<arbitrary>], iteration_bounds = array<i64: 2>, scalar_prefetch = 0 : i64, scratch_operands = 0 : i64, tpu.core_type = #tpu.core_type<tc>, window_params = [{transform_indices = @transform_0, window_bounds = array<i64: 2048, 256>}, {transform_indices = @transform_1, window_bounds = array<i64: 2048, 128>}, {pipeline_mode = #tpu.pipeline_mode<synchronous>, transform_indices = @transform_2, window_bounds = array<i64: 256, 256>}, {pipeline_mode = #tpu.pipeline_mode<synchronous>, transform_indices = @transform_3, window_bounds = array<i64: 1, 256>}, {pipeline_mode = #tpu.pipeline_mode<synchronous>, transform_indices = @transform_4, window_bounds = array<i64: 256, 128>}, {pipeline_mode = #tpu.pipeline_mode<synchronous>, transform_indices = @transform_5, window_bounds = array<i64: 1, 128>}, {pipeline_mode = #tpu.pipeline_mode<synchronous>, transform_indices = @transform_6, window_bounds = array<i64: 256, 256>}, {pipeline_mode = #tpu.pipeline_mode<synchronous>, transform_indices = @transform_7, window_bounds = array<i64: 1, 256>}, {pipeline_mode = #tpu.pipeline_mode<synchronous>, transform_indices = @transform_8, window_bounds = array<i64: 256, 128>}, {pipeline_mode = #tpu.pipeline_mode<synchronous>, transform_indices = @transform_9, window_bounds = array<i64: 1, 128>}, {pipeline_mode = #tpu.pipeline_mode<synchronous>, transform_indices = @transform_10, window_bounds = array<i64: 128, 1>}, {pipeline_mode = #tpu.pipeline_mode<synchronous>, transform_indices = @transform_11, window_bounds = array<i64: 1, 1>}, {transform_indices = @transform_12, window_bounds = array<i64: 2048, 1>}]} {
    %get3A = arith.constant 0 : index
    %get3A_0 = arith.constant 0 : index
    %get3A_1 = vector.load %arg1[%get3A, %get3A_0] : memref<2048x256xf32, #tpu.memory_space<vmem>>, vector<2048x256xf32>
    %get3A_2 = arith.constant 0 : index
    %get3A_3 = arith.constant 0 : index
    %get3A_4 = vector.load %arg3[%get3A_2, %get3A_3] : memref<256x256xf32, #tpu.memory_space<vmem>>, vector<256x256xf32>
    %dot_general3A = arith.constant dense<0.000000e+00> : vector<2048x256xf32>
    %dot_general3A_5 = tpu.matmul %get3A_1, %get3A_4, %dot_general3A {dimension_numbers = #tpu.dot_dimension_numbers<[1], [0], [0], [1], [0, 0, 1, 1], [], []>, transpose_lhs_hint = false} : vector<2048x256xf32>, vector<256x256xf32>, vector<2048x256xf32> -> vector<2048x256xf32>
    %get3A_6 = arith.constant 0 : index
    %get3A_7 = arith.constant 0 : index
    %get3A_8 = vector.load %arg4[%get3A_6, %get3A_7] : memref<1x256xf32, #tpu.memory_space<vmem>>, vector<1x256xf32>
    %add3A = vector.broadcast %get3A_8 : vector<1x256xf32> to vector<2048x256xf32>
    %add3A_9 = arith.addf %dot_general3A_5, %add3A : vector<2048x256xf32>
    %max3A = arith.constant 0.000000e+00 : f32
    %max3A_10 = vector.broadcast %max3A : f32 to vector<2048x256xf32>
    %max3A_11 = arith.maximumf %add3A_9, %max3A_10 : vector<2048x256xf32>
    %get3A_12 = arith.constant 0 : index
    %get3A_13 = arith.constant 0 : index
    %get3A_14 = vector.load %arg5[%get3A_12, %get3A_13] : memref<256x128xf32, #tpu.memory_space<vmem>>, vector<256x128xf32>
    %dot_general3A_15 = arith.constant dense<0.000000e+00> : vector<2048x128xf32>
    %dot_general3A_16 = tpu.matmul %max3A_11, %get3A_14, %dot_general3A_15 {dimension_numbers = #tpu.dot_dimension_numbers<[1], [0], [0], [1], [0, 0, 1, 1], [], []>, transpose_lhs_hint = false} : vector<2048x256xf32>, vector<256x128xf32>, vector<2048x128xf32> -> vector<2048x128xf32>
    %get3A_17 = arith.constant 0 : index
    %get3A_18 = arith.constant 0 : index
    %get3A_19 = vector.load %arg6[%get3A_17, %get3A_18] : memref<1x128xf32, #tpu.memory_space<vmem>>, vector<1x128xf32>
    %add3A_20 = vector.broadcast %get3A_19 : vector<1x128xf32> to vector<2048x128xf32>
    %add3A_21 = arith.addf %dot_general3A_16, %add3A_20 : vector<2048x128xf32>
    %get3A_22 = arith.constant 0 : index
    %get3A_23 = arith.constant 0 : index
    %get3A_24 = vector.load %arg7[%get3A_22, %get3A_23] : memref<256x256xf32, #tpu.memory_space<vmem>>, vector<128x256xf32>
    %dot_general3A_25 = arith.constant dense<0.000000e+00> : vector<2048x256xf32>
    %dot_general3A_26 = tpu.matmul %add3A_21, %get3A_24, %dot_general3A_25 {dimension_numbers = #tpu.dot_dimension_numbers<[1], [0], [0], [1], [0, 0, 1, 1], [], []>, transpose_lhs_hint = false} : vector<2048x128xf32>, vector<128x256xf32>, vector<2048x256xf32> -> vector<2048x256xf32>
    %get3A_27 = arith.constant 0 : index
    %get3A_28 = arith.constant 0 : index
    %get3A_29 = vector.load %arg2[%get3A_27, %get3A_28] : memref<2048x128xf32, #tpu.memory_space<vmem>>, vector<2048x128xf32>
    %get3A_30 = arith.constant 128 : index
    %get3A_31 = arith.constant 0 : index
    %get3A_32 = vector.load %arg7[%get3A_30, %get3A_31] : memref<256x256xf32, #tpu.memory_space<vmem>>, vector<128x256xf32>
    %dot_general3A_33 = arith.constant dense<0.000000e+00> : vector<2048x256xf32>
    %dot_general3A_34 = tpu.matmul %get3A_29, %get3A_32, %dot_general3A_33 {dimension_numbers = #tpu.dot_dimension_numbers<[1], [0], [0], [1], [0, 0, 1, 1], [], []>, transpose_lhs_hint = false} : vector<2048x128xf32>, vector<128x256xf32>, vector<2048x256xf32> -> vector<2048x256xf32>
    %add3A_35 = arith.addf %dot_general3A_26, %dot_general3A_34 : vector<2048x256xf32>
    %get3A_36 = arith.constant 0 : index
    %get3A_37 = arith.constant 0 : index
    %get3A_38 = vector.load %arg8[%get3A_36, %get3A_37] : memref<1x256xf32, #tpu.memory_space<vmem>>, vector<1x256xf32>
    %add3A_39 = vector.broadcast %get3A_38 : vector<1x256xf32> to vector<2048x256xf32>
    %add3A_40 = arith.addf %add3A_35, %add3A_39 : vector<2048x256xf32>
    %max3A_41 = arith.constant 0.000000e+00 : f32
    %max3A_42 = vector.broadcast %max3A_41 : f32 to vector<2048x256xf32>
    %max3A_43 = arith.maximumf %add3A_40, %max3A_42 : vector<2048x256xf32>
    %get3A_44 = arith.constant 0 : index
    %get3A_45 = arith.constant 0 : index
    %get3A_46 = vector.load %arg9[%get3A_44, %get3A_45] : memref<256x128xf32, #tpu.memory_space<vmem>>, vector<256x128xf32>
    %dot_general3A_47 = arith.constant dense<0.000000e+00> : vector<2048x128xf32>
    %dot_general3A_48 = tpu.matmul %max3A_43, %get3A_46, %dot_general3A_47 {dimension_numbers = #tpu.dot_dimension_numbers<[1], [0], [0], [1], [0, 0, 1, 1], [], []>, transpose_lhs_hint = false} : vector<2048x256xf32>, vector<256x128xf32>, vector<2048x128xf32> -> vector<2048x128xf32>
    %get3A_49 = arith.constant 0 : index
    %get3A_50 = arith.constant 0 : index
    %get3A_51 = vector.load %arg10[%get3A_49, %get3A_50] : memref<1x128xf32, #tpu.memory_space<vmem>>, vector<1x128xf32>
    %add3A_52 = vector.broadcast %get3A_51 : vector<1x128xf32> to vector<2048x128xf32>
    %add3A_53 = arith.addf %dot_general3A_48, %add3A_52 : vector<2048x128xf32>
    %max3A_54 = arith.constant 0.000000e+00 : f32
    %max3A_55 = vector.broadcast %max3A_54 : f32 to vector<2048x128xf32>
    %max3A_56 = arith.maximumf %add3A_53, %max3A_55 : vector<2048x128xf32>
    %get3A_57 = arith.constant 0 : index
    %get3A_58 = arith.constant 0 : index
    %get3A_59 = vector.load %arg11[%get3A_57, %get3A_58] : memref<128x1xf32, #tpu.memory_space<vmem>>, vector<128x1xf32>
    %dot_general3A_60 = arith.constant dense<0.000000e+00> : vector<2048x1xf32>
    %dot_general3A_61 = tpu.matmul %max3A_56, %get3A_59, %dot_general3A_60 {dimension_numbers = #tpu.dot_dimension_numbers<[1], [0], [0], [1], [0, 0, 1, 1], [], []>, transpose_lhs_hint = false} : vector<2048x128xf32>, vector<128x1xf32>, vector<2048x1xf32> -> vector<2048x1xf32>
    %get3A_62 = arith.constant 0 : index
    %get3A_63 = arith.constant 0 : index
    %get3A_64 = vector.load %arg12[%get3A_62, %get3A_63] : memref<1x1xf32, #tpu.memory_space<vmem>>, vector<1x1xf32>
    %add3A_65 = vector.broadcast %get3A_64 : vector<1x1xf32> to vector<2048x1xf32>
    %add3A_66 = arith.addf %dot_general3A_61, %add3A_65 : vector<2048x1xf32>
    %logistic3A = arith.negf %add3A_66 : vector<2048x1xf32>
    %logistic3A_67 = math.exp %logistic3A : vector<2048x1xf32>
    %logistic3A_68 = arith.constant 1.000000e+00 : f32
    %logistic3A_69 = vector.broadcast %logistic3A_68 : f32 to vector<2048x1xf32>
    %logistic3A_70 = arith.addf %logistic3A_69, %logistic3A_67 : vector<2048x1xf32>
    %logistic3A_71 = arith.divf %logistic3A_69, %logistic3A_70 : vector<2048x1xf32>
    %swap3A = arith.constant 0 : index
    %swap3A_72 = arith.constant 0 : index
    %swap3A_73 = vector.load %arg13[%swap3A, %swap3A_72] : memref<2048x1xf32, #tpu.memory_space<vmem>>, vector<2048x1xf32>
    tpu.vector_store %arg13[%swap3A, %swap3A_72], %logistic3A_71 {strides = array<i32>} : memref<2048x1xf32, #tpu.memory_space<vmem>>, vector<2048x1xf32>,
    return
  }
  func.func @transform_0(%arg0: i32) -> (i32, i32) {
    %c0_i32 = arith.constant 0 : i32
    %c0_i32_0 = arith.constant 0 : i32
    return %arg0, %c0_i32 : i32, i32
  }
  func.func @transform_1(%arg0: i32) -> (i32, i32) {
    %c0_i32 = arith.constant 0 : i32
    %c0_i32_0 = arith.constant 0 : i32
    return %arg0, %c0_i32 : i32, i32
  }
  func.func @transform_2(%arg0: i32) -> (i32, i32) {
    %c0_i32 = arith.constant 0 : i32
    %c0_i32_0 = arith.constant 0 : i32
    %c0_i32_1 = arith.constant 0 : i32
    return %c0_i32, %c0_i32_0 : i32, i32
  }
  func.func @transform_3(%arg0: i32) -> (i32, i32) {
    %c0_i32 = arith.constant 0 : i32
    %c0_i32_0 = arith.constant 0 : i32
    %c0_i32_1 = arith.constant 0 : i32
    return %c0_i32, %c0_i32_0 : i32, i32
  }
  func.func @transform_4(%arg0: i32) -> (i32, i32) {
    %c0_i32 = arith.constant 0 : i32
    %c0_i32_0 = arith.constant 0 : i32
    %c0_i32_1 = arith.constant 0 : i32
    return %c0_i32, %c0_i32_0 : i32, i32
  }
  func.func @transform_5(%arg0: i32) -> (i32, i32) {
    %c0_i32 = arith.constant 0 : i32
    %c0_i32_0 = arith.constant 0 : i32
    %c0_i32_1 = arith.constant 0 : i32
    return %c0_i32, %c0_i32_0 : i32, i32
  }
  func.func @transform_6(%arg0: i32) -> (i32, i32) {
    %c0_i32 = arith.constant 0 : i32
    %c0_i32_0 = arith.constant 0 : i32
    %c0_i32_1 = arith.constant 0 : i32
    return %c0_i32, %c0_i32_0 : i32, i32
  }
  func.func @transform_7(%arg0: i32) -> (i32, i32) {
    %c0_i32 = arith.constant 0 : i32
    %c0_i32_0 = arith.constant 0 : i32
    %c0_i32_1 = arith.constant 0 : i32
    return %c0_i32, %c0_i32_0 : i32, i32
  }
  func.func @transform_8(%arg0: i32) -> (i32, i32) {
    %c0_i32 = arith.constant 0 : i32
    %c0_i32_0 = arith.constant 0 : i32
    %c0_i32_1 = arith.constant 0 : i32
    return %c0_i32, %c0_i32_0 : i32, i32
  }
  func.func @transform_9(%arg0: i32) -> (i32, i32) {
    %c0_i32 = arith.constant 0 : i32
    %c0_i32_0 = arith.constant 0 : i32
    %c0_i32_1 = arith.constant 0 : i32
    return %c0_i32, %c0_i32_0 : i32, i32
  }
  func.func @transform_10(%arg0: i32) -> (i32, i32) {
    %c0_i32 = arith.constant 0 : i32
    %c0_i32_0 = arith.constant 0 : i32
    %c0_i32_1 = arith.constant 0 : i32
    return %c0_i32, %c0_i32_0 : i32, i32
  }
  func.func @transform_11(%arg0: i32) -> (i32, i32) {
    %c0_i32 = arith.constant 0 : i32
    %c0_i32_0 = arith.constant 0 : i32
    %c0_i32_1 = arith.constant 0 : i32
    return %c0_i32, %c0_i32_0 : i32, i32
  }
  func.func @transform_12(%arg0: i32) -> (i32, i32) {
    %c0_i32 = arith.constant 0 : i32
    %c0_i32_0 = arith.constant 0 : i32
    return %arg0, %c0_i32 : i32, i32
  }
}

</mosaic_0001>

<sc_bundles>
// kernel: sc_deg.3.cloned.1.call-start
scs
__scs_entry_jumppad:
0x0: {  	(pc) =	sbr.rel $0x88, $3  }
0x1: {  	(tag) =	ssettag $0x0;
	lr =	simm.s32 $0x1  }
0x2: {  	[smem:$0x3F8F] =	sst lr;
	_ =	strace $0xD0000000  }
0x3: {  	_ = 	snop  }
0x4: {  	_ = 	snop  }
0x5: {  	_ = 	snop  }
0x6: {  	_ = 	snop  }
0x7: {  	_ = 	snop  }
__scs_overlays_trampoline_lowered:
0x8: {  	[smem:$0x3F9E] =	sst s0  }
0x9: {  	[smem:$0x3F9F] =	sst s1  }
0xa: {  	[smem:$0x3FA0] =	sst s2  }
0xb: {  	[smem:$0x3FA1] =	sst s3  }
0xc: {  	[smem:$0x3FA2] =	sst s4  }
0xd: {  	[smem:$0x3FA3] =	sst s5  }
0xe: {  	[smem:$0x3FA4] =	sst s6  }
0xf: {  	[smem:$0x3FA5] =	sst s7  }
0x10: {  	[smem:$0x3FA6] =	sst s8  }
0x11: {  	[smem:$0x3FA7] =	sst s9;
	s0 =	simm.s32 @!p0 $0x0  }
0x12: {  	s1 =	sld [smem:$0x3F8D];
	s0 =	simm.s32 @p0 $0x1  }
0x13: {  	[smem:$0x3FA8] =	sst s0;
	s0 =	simm.s32 @!p1 $0x0  }
0x14: {  	s2 =	sld [smem:$0x3F8C];
	s0 =	simm.s32 @p1 $0x1  }
0x15: {  	[smem:$0x3FA9] =	sst s0;
	s0 =	simm.s32 @!p2 $0x0  }
0x16: {  	s3 =	sld [smem:$0x3FDB];
	s0 =	simm.s32 @p2 $0x1  }
0x17: {  	s4 =	simm.s32 $0x1BF5;
	[smem:$0x3FAB] =	sst s0  }
0x18: {  	s0 =	sld [smem:$0x3F8E];
	_ =	swait.ge [sflag:s4], $0x0  }
0x19: {  	s7 =	sld [smem:$0x3F8F]  }
0x1a: {  	s8 =	sadd.s32 $0xFFFFE003, lr  }
0x1b: {  	s9 =	sadd.s32 $0xFFFFFEF7, lr;
	s5 =	simm.s32 $0xFFFFFFFF;
	p2 =	slt.u32 s8, $0xFFFFF086  }
0x1c: {  	p1 =	slt.u32 s9, $0xF7A;
	s5 =	simm.s32 @!p2 $0x0  }
0x1d: {  	s5 =	simm.s32 @p1 $0x1;
	p0 =	seq.s32 s7, s2  }
0x1e: {  	s7 =	smul.u32 @!p0 $0xF7A, s2;
	p2 =	seq.s32 @!p0 s5, $0x0  }
0x1f: {  	s9 =	smul.u32 $0xF7A, s1;
	s8 =	simm.s32 @!p0 $0x1BF5;
	p2 =	por !p2, p0  }
0x20: {  	[sflag:s8] =	ssyncset.s32 @!p0 $0xFFFFF086;
	s6 =	sadd.s32 @!p0 s3, s7;
	s7 =	simm.s32 @!p0 $0x108  }
0x21: {  	s3 =	sadd.s32 s3, s9;
	s6 =	sadd.s32 @!p0 $0x88, s6;
	s7 =	simm.s32 @p2 $0x1082  }
0x22: {  	[simem:s7], [sflag:s8] =	dma.local @!p0 [hbm:s6], $0xF7A  }
0x23: {  	s9 =	sor.u32 $0xD0000000, s2;
	s6 =	simm.s32 $0x108;
	_ =	swait.ge @!p0 [sflag:s8], $0x0  }
0x24: {  	s3 =	sadd.s32 $0x88, s3;
	s6 =	simm.s32 @!p1 $0x1082;
	[sflag:s4] =	ssyncset.s32 $0xFFFFF086  }
0x25: {  	[simem:s6], [sflag:s4] =	dma.local [hbm:s3], $0xF7A  }
0x26: {  	[smem:$0x3F8F] =	sst s1;
	(tag) =	ssettag s2;
	_ =	strace s9  }
0x27: {  	s1 =	sld [smem:$0x3F9F]  }
0x28: {  	s2 =	sld [smem:$0x3FA0]  }
0x29: {  	s4 =	sld [smem:$0x3FA2]  }
0x2a: {  	p0 =	seq.s32 s5, $0x0;
	s5 =	sld [smem:$0x3FA3]  }
0x2b: {  	s6 =	sld [smem:$0x3FA4]  }
0x2c: {  	s7 =	sld [smem:$0x3FA5]  }
0x2d: {  	s3 =	simm.s32 $0x108;
	s8 =	sld [smem:$0x3FA6]  }
0x2e: {  	s3 =	simm.s32 @!p0 $0x1082;
	s9 =	sld [smem:$0x3FA7]  }
0x2f: {  	lr =	sadd.s32 s0, s3;
	s0 =	sld [smem:$0x3F9E]  }
0x30: {  	s3 =	sld [smem:$0x3FA1]  }
0x31: {  	[smem:$0x3FAA] =	sst s10  }
0x32: {  	s10 =	sld [smem:$0x3FA8];
	_ =	sdelay $0x3  }
0x33: {  	p0 =	seq.s32 s10, $0x1;
	s10 =	sld [smem:$0x3FAA];
	_ =	sdelay $0x3  }
0x34: {  	[smem:$0x3FAA] =	sst s10  }
0x35: {  	s10 =	sld [smem:$0x3FA9];
	_ =	sdelay $0x3  }
0x36: {  	p1 =	seq.s32 s10, $0x1;
	s10 =	sld [smem:$0x3FAA];
	_ =	sdelay $0x3  }
0x37: {  	[smem:$0x3FAA] =	sst s10  }
0x38: {  	s10 =	sld [smem:$0x3FAB]  }
0x39: {  	_ = 	snop;
	(pc) =	sbr.ind lr, $3  }
0x3a: {  	_ = 	snop  }
0x3b: {  	_ = 	snop  }
0x3c: {  	p2 =	seq.s32 s10, $0x1;
	s10 =	sld [smem:$0x3FAA]  }
0x3d: {  	_ =	shalt  }
0x3e: {  	_ =	shalt  }
0x3f: {  	_ =	shalt  }
0x40: {  	_ =	shalt  }
0x41: {  	_ =	shalt  }
0x42: {  	_ =	shalt  }
0x43: {  	_ =	shalt  }
0x44: {  	_ =	shalt  }
0x45: {  	_ =	shalt  }
0x46: {  	_ =	shalt  }
0x47: {  	_ =	shalt  }
0x48: {  	_ =	shalt  }
0x49: {  	_ =	shalt  }
0x4a: {  	_ =	shalt  }
0x4b: {  	_ =	shalt  }
0x4c: {  	_ =	shalt  }
0x4d: {  	_ =	shalt  }
0x4e: {  	_ =	shalt  }
0x4f: {  	_ =	shalt  }
0x50: {  	_ =	shalt  }
0x51: {  	_ =	shalt  }
0x52: {  	_ =	shalt  }
0x53: {  	_ =	shalt  }
0x54: {  	_ =	shalt  }
0x55: {  	_ =	shalt  }
0x56: {  	_ =	shalt  }
0x57: {  	_ =	shalt  }
0x58: {  	_ =	shalt  }
0x59: {  	_ =	shalt  }
0x5a: {  	_ =	shalt  }
0x5b: {  	_ =	shalt  }
0x5c: {  	_ =	shalt  }
0x5d: {  	_ =	shalt  }
0x5e: {  	_ =	shalt  }
0x5f: {  	_ =	shalt  }
0x60: {  	_ =	shalt  }
0x61: {  	_ =	shalt  }
0x62: {  	_ =	shalt  }
0x63: {  	_ =	shalt  }
0x64: {  	_ =	shalt  }
0x65: {  	_ =	shalt  }
0x66: {  	_ =	shalt  }
0x67: {  	_ =	shalt  }
0x68: {  	_ =	shalt  }
0x69: {  	_ =	shalt  }
0x6a: {  	_ =	shalt  }
0x6b: {  	_ =	shalt  }
0x6c: {  	_ =	shalt  }
0x6d: {  	_ =	shalt  }
0x6e: {  	_ =	shalt  }
0x6f: {  	_ =	shalt  }
0x70: {  	_ =	shalt  }
0x71: {  	_ =	shalt  }
0x72: {  	_ =	shalt  }
0x73: {  	_ =	shalt  }
0x74: {  	_ =	shalt  }
0x75: {  	_ =	shalt  }
0x76: {  	_ =	shalt  }
0x77: {  	_ =	shalt  }
0x78: {  	_ =	shalt  }
0x79: {  	_ =	shalt  }
0x7a: {  	_ =	shalt  }
0x7b: {  	_ =	shalt  }
0x7c: {  	_ =	shalt  }
0x7d: {  	_ =	shalt  }
0x7e: {  	_ =	shalt  }
0x7f: {  	_ =	shalt  }
0x80: {  	_ =	shalt  }
0x81: {  	_ =	shalt  }
0x82: {  	_ =	shalt  }
0x83: {  	_ =	shalt  }
0x84: {  	_ =	shalt  }
0x85: {  	_ =	shalt  }
0x86: {  	_ =	shalt  }
0x87: {  	_ =	shalt  }
.Lfunc_end0:
.L_simem_size_0:
called_computation_lowered:
.L_overlay_start_0:
0x88: {  	s2 =	sld [smem:$0x3FD9]  }
0x89: {  	s3 =	sld [smem:$0x3FFE];
	_ =	sdelay $0x1  }
0x8a: {  	s1 =	srdreg.scid  }
0x8b: {  	s0 =	sand.u32 $0x1, s1  }
0x8c: {  	s16 =	sshll.u32 s0, $0xA;
	s2 =	sadd.s32 s3, s2  }
0x8d: {  	s2 =	sadd.s32 s2, s16  }
0x8e: {  	[smem:$0x3FB6] =	sst s2  }
0x8f: {  	_ = 	snop  }
0x90: {  	(tm) =	ssettm $0x1  }
0x91: {  	s17 =	sld [smem:$0x3FFB];
	_ =	sdelay $0x3  }
0x92: {  	_ =	strace s17  }
0x93: {  	s2 =	sld [smem:$0x3FFC];
	_ =	sdelay $0x3  }
0x94: {  	_ =	strace s2  }
0x95: {  	s2 =	sld [smem:$0x3FFD];
	_ =	sdelay $0x3  }
0x96: {  	_ =	strace s2  }
0x97: {  	_ =	strace $0x8FFFFFFF  }
0x98: {  	s18 =	sld [smem:$0x3FDB];
	_ =	sdelay $0x1  }
0x99: {  	s19 =	simm.s32 $_scs_section_size  }
0x9a: {  	s4 =	simm.s32 $_size__tile_overlayer_lowered;
	s5 =	simm.s32 $_tile_overlayer_lowered  }
0x9b: {  	s22 =	simm.s32 $0x1BFF;
	s21 =	sshll.u32 s5, $0x1;
	s2 =	sadd.s32 s19, s18  }
0x9c: {  	s6 =	simm.s32 $0x0;
	s20 =	sshll.u32 s4, $0x1;
	s4 =	sadd.s32 s21, s2  }
0x9d: {  	[timem:s6], [sflag:s22] =	dma.local [hbm:s4], s20  }
0x9e: {  	_ =	swait.ge [sflag:s22], s20  }
0x9f: {  	s3 =	ssub.s32 $0x0, s20;
	[sflag:s22] =	ssyncset.done $0x0  }
0xa0: {  	[sflag:s22] =	ssyncadd.s32 s3;
	_ =	sdelay $0x1  }
0xa1: {  	s23 =	simm.s32 $0x1B8B  }
0xa2: {  	_ =	swait.ge [sflag:s23], $0x1  }
0xa3: {  	[sflag:s23] =	ssyncset.done $0x0  }
0xa4: {  	s25 =	simm.s32 $0x1B8E;
	s24 =	sld [smem:$0x3FFE];
	[sflag:s23] =	ssyncadd.s32 $0xFFFFFFFF  }
0xa5: {  	s26 =	simm.s32 $execute0_lowered;
	[smem:$0x3FD2] =	sst s25  }
0xa6: {  	s4 =	sshll.u32 s26, $0x1;
	_ =	strace $0x80000046;
	[dreg:$0x1] =	wrdreg $0xFFFFFFFF  }
0xa7: {  	s28 =	simm.s32 $_size_execute0_lowered;
	s2 =	sadd.s32 s2, s4;
	[dreg:$0x0] =	wrdreg $0x0  }
0xa8: {  	s4 =	sshll.u32 s28, $0x1;
	[dreg:$0x2] =	wrdreg s2  }
0xa9: {  	[dreg:$0x3] =	wrdreg s4  }
0xaa: {  	[dreg:$0x4] =	wrdreg $0xC0  }
0xab: {  	_ =	task [dreg:s6], $0x5FFFF  }
0xac: {  	[dreg:$0x1] =	wrdreg $0xFFFFFFFF  }
0xad: {  	[dreg:$0x0] =	wrdreg $0x60  }
0xae: {  	[dreg:$0x2] =	wrdreg s24  }
0xaf: {  	[dreg:$0x3] =	wrdreg $0x4C000  }
0xb0: {  	[dreg:$0x4] =	wrdreg $0x9  }
0xb1: {  	_ =	task.clear_ibuf [dreg:s6], $0x5FFFF;
	_ =	strace $0x90000046  }
0xb2: {  	s29 =	simm.s32 $0x9;
	_ =	strace $0x80000048  }
0xb3: {  	_ =	swait.ge [sflag:s29], $0x1  }
0xb4: {  	[sflag:s29] =	ssyncadd.s32 $0xFFFFFFFF  }
0xb5: {  	_ =	strace $0x90000048  }
0xb6: {  	_ =	sfence  }
0xb7: {  	s30 =	sld [smem:$0x0];
	_ =	sdelay $0x2  }
0xb8: {  	s31 =	sshll.u32 s1, $0xD;
	s1 =	sshrl.u32 s1, $0x2  }
0xb9: {  	s3 =	sand.u32 $0x4000, s31;
	s1 =	sadd.s32 s1, s30  }
0xba: {  	s0 =	sor.u32 s3, s0;
	s1 =	sshll.u32 s1, $0x11  }
0xbb: {  	s0 =	sor.u32 s1, s0  }
0xbc: {  	s0 =	sadd.s32 $0x8F2B, s0  }
0xbd: {  	[sflag:s0] =	ssyncadd.remote.s32 $0x1  }
0xbe: {  	_ =	sfence.sel $0xFFFF  }
0xbf: {  	[dreg:$0x0] =	wrdreg $0xFFFFFFFF;
	(pc) =	sbr.abs _section_cstart, $3  }
0xc0: {  	[dreg:$0x1] =	wrdreg $0xFFFFFFFF  }
0xc1: {  	_ =	task.clear_ibuf [dreg:s6], $0x2FFFF;
	_ =	strace $0x9FFFFFFF  }
0xc2: {  	(tm) =	ssettm $0x7FFFFFFF  }
0xc3: {  	_ =	shalt  }
tec
execute0_lowered:
.L_overlay_start_1:
0x0: {  	(tag) =	ssettag $0x1  }
0x1: {  	s0 =	srdreg.scid;
	s6 =	rddreg [dreg:$0x0]  }
0x2: {  	s2 =	rddreg [dreg:$0x1];
	s5 =	sand.u32 $0x1, s0;
	s0 =	stileid.u32  }
0x3: {  	s3 =	simm.s32 $0x0;
	s14 =	simm.s32 $0x0;
	s7 =	smul.u32 $0x13C00, s0  }
0x4: {  	[smem:$0x7FF] =	sst s3;
	s1 =	sshll.u32 s5, $0x4;
	s8 =	smul.u32 $0x13C000, s5  }
0x5: {  	s5 =	ssub.s32 $0x2, s5;
	s29 =	smul.u32 $0x4F000, s0;
	s31 =	sshll.u32 s0, $0x6  }
0x6: {  	s4 =	sor.u32 s0, s1;
	s1 =	rddreg [dreg:$0x2];
	_ =	strace $0x80000047  }
0x7: {  	s11 =	sshrl.u32 s5, $0x1;
	s4 =	smul.u32 $0x380, s4;
	s10 =	sshrl.u32 s7, $0x3  }
0x8: {  	s7 =	sadd.s32 s7, s8;
	s11 =	ssub.s32 s5, s11;
	s30 =	sshrl.u32 s29, $0x2  }
0x9: {  	s10 =	sadd.s32 s10, s6;
	s7 =	sshrl.u32 s7, $0x3;
	s13 =	sadd.s32 s30, s2  }
0xa: {  	s9 =	sadd.s32 s4, s6;
	s4 =	sadd.s32 $0x32000, s6;
	s12 =	sadd.s32 s7, s6  }
0xb: {  	s5 =	sadd.s32 $0xA800, s10;
	s6 =	sor.u32 $0x1C01, s31;
	s10 =	sshrl.u32 s13, $0x3  }
0xc: {  	s13 =	simm.s32 $0x60;
	s7 =	sadd.s32 $0x3800, s9;
	s8 =	sadd.s32 $0x32600, s12  }
0xd: {  	s9 =	smax.u32 s11, $0x1;
	s11 =	simm.s32 $0x1;
	s12 =	simm.s32 $0x1C00  }
.LBB2_1:
0xe: {  	[spmem:s10], [sflag:s6] =	dma.local [hbm:s5], $0x2780  }
0xf: {  	_ =	swait.ge [sflag:s11], $0x2780  }
0x10: {  	[sflag:s11] =	ssyncset.done $0x0  }
0x11: {  	[sflag:s11] =	ssyncadd.s32 $0xFFFFD880  }
0x12: {  	[tilespmem:s12], [sflag:$0x1] =	stream.linear.gather [hbm4b:s4+s3], $0x3000, $0x38;
	[tilespmem:$0x18800] =	vst v63  }
0x13: {  	_ =	swait.ge [sflag:s11], $0x3000  }
0x14: {  	[sflag:s11] =	ssyncset.done $0x0  }
0x15: {  	[sflag:s11] =	ssyncadd.s32 $0xFFFFD000  }
0x16: {  	[tilespmem:s3], [sflag:$0x1] =	stream.linear.gather [hbm4b:s7+s3], $0x1B00, $0x38;
	[tilespmem:$0x18800] =	vst v63  }
0x17: {  	_ =	swait.ge [sflag:s11], $0x1B00  }
0x18: {  	[sflag:s11] =	ssyncset.done $0x0  }
0x19: {  	[sflag:s11] =	ssyncadd.s32 $0xFFFFE500  }
0x1a: {  	s15 =	simm.s32 $0x0;
	[bflag:$0x0] =	sbarrier.arrive $0xFFFF  }
0x1b: {  	[spmem:s2] =	stream.indirect.scatter.add.f32 [tilespmem:s12], [sflag:$0x1], $0x80, s15, s13, $0xb8;
	[tilespmem:$0x18800] =	vst v63  }
0x1c: {  	_ =	swait.ge [sflag:s11], $0x3000  }
0x1d: {  	s15 =	simm.s32 $0x200;
	[sflag:s11] =	ssyncset.done $0x0  }
.LBB2_2:
0x1e: {  	s16 =	sshra.s32 s15, $0x2;
	[sflag:s11] =	ssyncadd.s32 $0xFFFFD000;
	p0 =	sne.s32 s15, $0x6A00  }
0x1f: {  	[spmem:s2] =	stream.indirect.scatter.add.f32 [tilespmem:s12], [sflag:$0x1], $0x80, s16, s13, $0xb8;
	[tilespmem:$0x18800] =	vst v63  }
.Ltmp0:
0x20: {  	_ = 	snop;
	(pc) =	sbr.rel @p0 .LBB2_2-.Ltmp0, $4  }
0x21: {  	_ = 	snop  }
0x22: {  	s15 =	sadd.s32 $0x200, s15  }
0x23: {  	_ =	swait.ge [sflag:s11], $0x3000  }
0x24: {  	[sflag:s11] =	ssyncset.done $0x0  }
0x25: {  	s14 =	sadd.s32 $0x1, s14  }
0x26: {  	[sflag:s11] =	ssyncadd.s32 $0xFFFFD000;
	p0 =	sne.s32 s14, s9  }
.Ltmp1:
0x27: {  	[bflag:$0x0] =	sbarrier.arrive $0xFFFF;
	(pc) =	sbr.rel @p0 .LBB2_1-.Ltmp1, $4  }
0x28: {  	[hbm:s8], [sflag:s6] =	dma.local [spmem:s10], $0x2780  }
0x29: {  	_ =	swait.ge [sflag:s11], $0x2780  }
0x2a: {  	[sflag:s11] =	ssyncset.done $0x0  }
0x2b: {  	[sflag:s11] =	ssyncadd.s32 $0xFFFFD880  }
0x2c: {  	_ =	sfence.sel $0x180000  }
0x2d: {  	[bflag:$0x0] =	sbarrier.arrive $0xFFFF  }
0x2e: {  	p0 =	sne.s32 s0, $0x0;
	_ =	strace $0x90000047  }
0x2f: {  	s0 =	sadd.s32 @!p0 $0x100000, s1;
	[bflag:$0x2] =	sbarrier.arrive $0xFFFF  }
0x30: {  	[sflag:s0] =	ssyncadd.tile.s32 @!p0 $0x1;
	_ =	shalt  }
.Lfunc_end2:
_tile_overlayer_lowered:
.L_overlay_start_2:
0x31: {  	(tag) =	ssettag $0x2  }
0x32: {  	s0 =	rddreg [dreg:$0x0];
	s2 =	stileid.u32  }
0x33: {  	s1 =	rddreg [dreg:$0x1];
	p0 =	sne.s32 s2, $0x0  }
0x34: {  	s3 =	rddreg [dreg:$0x2];
	[bflag:$0x3] =	sbarrier.arrive $0xFFFF;
	s2 =	simm.s32 @!p0 $0x1C01  }
0x35: {  	[timem:s3], [sflag:s2] =	dma.local @!p0 [hbm:s0], s1  }
0x36: {  	s0 =	simm.s32 @!p0 $0x1  }
0x37: {  	_ =	swait.ge @!p0 [sflag:s0], s1  }
0x38: {  	s1 =	ssub.s32 @!p0 $0x0, s1;
	[sflag:s0] =	ssyncset.done @!p0 $0x0  }
0x39: {  	[sflag:s0] =	ssyncadd.s32 @!p0 s1  }
0x3a: {  	[bflag:$0x3] =	sbarrier.arrive $0xFFFF  }
0x3b: {  	_ =	shalt  }

// kernel: sc_gather.3.cloned.1.call-start
scs
__scs_entry_jumppad:
0x0: {  	(pc) =	sbr.rel $0x88, $3  }
0x1: {  	(tag) =	ssettag $0x0;
	lr =	simm.s32 $0x1  }
0x2: {  	[smem:$0x3F8F] =	sst lr;
	_ =	strace $0xD0000000  }
0x3: {  	_ = 	snop  }
0x4: {  	_ = 	snop  }
0x5: {  	_ = 	snop  }
0x6: {  	_ = 	snop  }
0x7: {  	_ = 	snop  }
__scs_overlays_trampoline_lowered:
0x8: {  	[smem:$0x3F9E] =	sst s0  }
0x9: {  	[smem:$0x3F9F] =	sst s1  }
0xa: {  	[smem:$0x3FA0] =	sst s2  }
0xb: {  	[smem:$0x3FA1] =	sst s3  }
0xc: {  	[smem:$0x3FA2] =	sst s4  }
0xd: {  	[smem:$0x3FA3] =	sst s5  }
0xe: {  	[smem:$0x3FA4] =	sst s6  }
0xf: {  	[smem:$0x3FA5] =	sst s7  }
0x10: {  	[smem:$0x3FA6] =	sst s8  }
0x11: {  	[smem:$0x3FA7] =	sst s9;
	s0 =	simm.s32 @!p0 $0x0  }
0x12: {  	s1 =	sld [smem:$0x3F8D];
	s0 =	simm.s32 @p0 $0x1  }
0x13: {  	[smem:$0x3FA8] =	sst s0;
	s0 =	simm.s32 @!p1 $0x0  }
0x14: {  	s2 =	sld [smem:$0x3F8C];
	s0 =	simm.s32 @p1 $0x1  }
0x15: {  	[smem:$0x3FA9] =	sst s0;
	s0 =	simm.s32 @!p2 $0x0  }
0x16: {  	s3 =	sld [smem:$0x3FDB];
	s0 =	simm.s32 @p2 $0x1  }
0x17: {  	s4 =	simm.s32 $0x1BF5;
	[smem:$0x3FAB] =	sst s0  }
0x18: {  	s0 =	sld [smem:$0x3F8E];
	_ =	swait.ge [sflag:s4], $0x0  }
0x19: {  	s7 =	sld [smem:$0x3F8F]  }
0x1a: {  	s8 =	sadd.s32 $0xFFFFE003, lr  }
0x1b: {  	s9 =	sadd.s32 $0xFFFFFEF7, lr;
	s5 =	simm.s32 $0xFFFFFFFF;
	p2 =	slt.u32 s8, $0xFFFFF086  }
0x1c: {  	p1 =	slt.u32 s9, $0xF7A;
	s5 =	simm.s32 @!p2 $0x0  }
0x1d: {  	s5 =	simm.s32 @p1 $0x1;
	p0 =	seq.s32 s7, s2  }
0x1e: {  	s7 =	smul.u32 @!p0 $0xF7A, s2;
	p2 =	seq.s32 @!p0 s5, $0x0  }
0x1f: {  	s9 =	smul.u32 $0xF7A, s1;
	s8 =	simm.s32 @!p0 $0x1BF5;
	p2 =	por !p2, p0  }
0x20: {  	[sflag:s8] =	ssyncset.s32 @!p0 $0xFFFFF086;
	s6 =	sadd.s32 @!p0 s3, s7;
	s7 =	simm.s32 @!p0 $0x108  }
0x21: {  	s3 =	sadd.s32 s3, s9;
	s6 =	sadd.s32 @!p0 $0x88, s6;
	s7 =	simm.s32 @p2 $0x1082  }
0x22: {  	[simem:s7], [sflag:s8] =	dma.local @!p0 [hbm:s6], $0xF7A  }
0x23: {  	s9 =	sor.u32 $0xD0000000, s2;
	s6 =	simm.s32 $0x108;
	_ =	swait.ge @!p0 [sflag:s8], $0x0  }
0x24: {  	s3 =	sadd.s32 $0x88, s3;
	s6 =	simm.s32 @!p1 $0x1082;
	[sflag:s4] =	ssyncset.s32 $0xFFFFF086  }
0x25: {  	[simem:s6], [sflag:s4] =	dma.local [hbm:s3], $0xF7A  }
0x26: {  	[smem:$0x3F8F] =	sst s1;
	(tag) =	ssettag s2;
	_ =	strace s9  }
0x27: {  	s1 =	sld [smem:$0x3F9F]  }
0x28: {  	s2 =	sld [smem:$0x3FA0]  }
0x29: {  	s4 =	sld [smem:$0x3FA2]  }
0x2a: {  	p0 =	seq.s32 s5, $0x0;
	s5 =	sld [smem:$0x3FA3]  }
0x2b: {  	s6 =	sld [smem:$0x3FA4]  }
0x2c: {  	s7 =	sld [smem:$0x3FA5]  }
0x2d: {  	s3 =	simm.s32 $0x108;
	s8 =	sld [smem:$0x3FA6]  }
0x2e: {  	s3 =	simm.s32 @!p0 $0x1082;
	s9 =	sld [smem:$0x3FA7]  }
0x2f: {  	lr =	sadd.s32 s0, s3;
	s0 =	sld [smem:$0x3F9E]  }
0x30: {  	s3 =	sld [smem:$0x3FA1]  }
0x31: {  	[smem:$0x3FAA] =	sst s10  }
0x32: {  	s10 =	sld [smem:$0x3FA8];
	_ =	sdelay $0x3  }
0x33: {  	p0 =	seq.s32 s10, $0x1;
	s10 =	sld [smem:$0x3FAA];
	_ =	sdelay $0x3  }
0x34: {  	[smem:$0x3FAA] =	sst s10  }
0x35: {  	s10 =	sld [smem:$0x3FA9];
	_ =	sdelay $0x3  }
0x36: {  	p1 =	seq.s32 s10, $0x1;
	s10 =	sld [smem:$0x3FAA];
	_ =	sdelay $0x3  }
0x37: {  	[smem:$0x3FAA] =	sst s10  }
0x38: {  	s10 =	sld [smem:$0x3FAB]  }
0x39: {  	_ = 	snop;
	(pc) =	sbr.ind lr, $3  }
0x3a: {  	_ = 	snop  }
0x3b: {  	_ = 	snop  }
0x3c: {  	p2 =	seq.s32 s10, $0x1;
	s10 =	sld [smem:$0x3FAA]  }
0x3d: {  	_ =	shalt  }
0x3e: {  	_ =	shalt  }
0x3f: {  	_ =	shalt  }
0x40: {  	_ =	shalt  }
0x41: {  	_ =	shalt  }
0x42: {  	_ =	shalt  }
0x43: {  	_ =	shalt  }
0x44: {  	_ =	shalt  }
0x45: {  	_ =	shalt  }
0x46: {  	_ =	shalt  }
0x47: {  	_ =	shalt  }
0x48: {  	_ =	shalt  }
0x49: {  	_ =	shalt  }
0x4a: {  	_ =	shalt  }
0x4b: {  	_ =	shalt  }
0x4c: {  	_ =	shalt  }
0x4d: {  	_ =	shalt  }
0x4e: {  	_ =	shalt  }
0x4f: {  	_ =	shalt  }
0x50: {  	_ =	shalt  }
0x51: {  	_ =	shalt  }
0x52: {  	_ =	shalt  }
0x53: {  	_ =	shalt  }
0x54: {  	_ =	shalt  }
0x55: {  	_ =	shalt  }
0x56: {  	_ =	shalt  }
0x57: {  	_ =	shalt  }
0x58: {  	_ =	shalt  }
0x59: {  	_ =	shalt  }
0x5a: {  	_ =	shalt  }
0x5b: {  	_ =	shalt  }
0x5c: {  	_ =	shalt  }
0x5d: {  	_ =	shalt  }
0x5e: {  	_ =	shalt  }
0x5f: {  	_ =	shalt  }
0x60: {  	_ =	shalt  }
0x61: {  	_ =	shalt  }
0x62: {  	_ =	shalt  }
0x63: {  	_ =	shalt  }
0x64: {  	_ =	shalt  }
0x65: {  	_ =	shalt  }
0x66: {  	_ =	shalt  }
0x67: {  	_ =	shalt  }
0x68: {  	_ =	shalt  }
0x69: {  	_ =	shalt  }
0x6a: {  	_ =	shalt  }
0x6b: {  	_ =	shalt  }
0x6c: {  	_ =	shalt  }
0x6d: {  	_ =	shalt  }
0x6e: {  	_ =	shalt  }
0x6f: {  	_ =	shalt  }
0x70: {  	_ =	shalt  }
0x71: {  	_ =	shalt  }
0x72: {  	_ =	shalt  }
0x73: {  	_ =	shalt  }
0x74: {  	_ =	shalt  }
0x75: {  	_ =	shalt  }
0x76: {  	_ =	shalt  }
0x77: {  	_ =	shalt  }
0x78: {  	_ =	shalt  }
0x79: {  	_ =	shalt  }
0x7a: {  	_ =	shalt  }
0x7b: {  	_ =	shalt  }
0x7c: {  	_ =	shalt  }
0x7d: {  	_ =	shalt  }
0x7e: {  	_ =	shalt  }
0x7f: {  	_ =	shalt  }
0x80: {  	_ =	shalt  }
0x81: {  	_ =	shalt  }
0x82: {  	_ =	shalt  }
0x83: {  	_ =	shalt  }
0x84: {  	_ =	shalt  }
0x85: {  	_ =	shalt  }
0x86: {  	_ =	shalt  }
0x87: {  	_ =	shalt  }
.Lfunc_end0:
.L_simem_size_0:
called_computation.3_lowered:
.L_overlay_start_0:
0x88: {  	s2 =	sld [smem:$0x3FD9]  }
0x89: {  	s3 =	sld [smem:$0x3FFE];
	_ =	sdelay $0x1  }
0x8a: {  	s1 =	srdreg.scid  }
0x8b: {  	s0 =	sand.u32 $0x1, s1  }
0x8c: {  	s17 =	sshll.u32 s0, $0xA;
	s2 =	sadd.s32 s3, s2  }
0x8d: {  	s2 =	sadd.s32 s2, s17  }
0x8e: {  	[smem:$0x3FB6] =	sst s2  }
0x8f: {  	_ = 	snop  }
0x90: {  	s2 =	sld [smem:$0x3FC8];
	(tm) =	ssettm $0x1  }
0x91: {  	s18 =	sld [smem:$0x3FFB];
	_ =	sdelay $0x3  }
0x92: {  	_ =	strace s18  }
0x93: {  	s3 =	sld [smem:$0x3FFC];
	_ =	sdelay $0x3  }
0x94: {  	_ =	strace s3  }
0x95: {  	s3 =	sld [smem:$0x3FFD];
	_ =	sdelay $0x3  }
0x96: {  	_ =	strace s3  }
0x97: {  	_ =	strace $0x8FFFFFFF  }
0x98: {  	s19 =	sld [smem:$0x3FDB];
	_ =	sdelay $0x1  }
0x99: {  	s4 =	simm.s32 $_scs_section_size  }
0x9a: {  	s5 =	simm.s32 $_size__tile_overlayer_lowered;
	s6 =	simm.s32 $_tile_overlayer_lowered  }
0x9b: {  	s22 =	simm.s32 $0x1BFF;
	s21 =	sshll.u32 s6, $0x1;
	s3 =	sadd.s32 s4, s19  }
0x9c: {  	s7 =	simm.s32 $0x0;
	s20 =	sshll.u32 s5, $0x1;
	s5 =	sadd.s32 s21, s3  }
0x9d: {  	[timem:s7], [sflag:s22] =	dma.local [hbm:s5], s20  }
0x9e: {  	_ =	swait.ge [sflag:s22], s20  }
0x9f: {  	s4 =	ssub.s32 $0x0, s20;
	[sflag:s22] =	ssyncset.done $0x0  }
0xa0: {  	[sflag:s22] =	ssyncadd.s32 s4;
	_ =	sdelay $0x1  }
0xa1: {  	s23 =	simm.s32 $0x1B8B  }
0xa2: {  	_ =	swait.ge [sflag:s23], $0x1  }
0xa3: {  	[sflag:s23] =	ssyncset.done $0x0  }
0xa4: {  	s25 =	simm.s32 $0x1B8E;
	s24 =	sld [smem:$0x3FFE];
	[sflag:s23] =	ssyncadd.s32 $0xFFFFFFFF  }
0xa5: {  	s26 =	simm.s32 $execute0_lowered;
	[smem:$0x3FD2] =	sst s25  }
0xa6: {  	s5 =	sshll.u32 s26, $0x1;
	_ =	strace $0x8000004F;
	[dreg:$0x1] =	wrdreg $0xFFFFFFFF  }
0xa7: {  	s28 =	simm.s32 $_size_execute0_lowered;
	s3 =	sadd.s32 s3, s5;
	[dreg:$0x0] =	wrdreg $0x0  }
0xa8: {  	s5 =	sshll.u32 s28, $0x1;
	[dreg:$0x2] =	wrdreg s3  }
0xa9: {  	[dreg:$0x3] =	wrdreg s5  }
0xaa: {  	[dreg:$0x4] =	wrdreg $0xC0  }
0xab: {  	_ =	task [dreg:s7], $0x5FFFF  }
0xac: {  	[dreg:$0x1] =	wrdreg $0xFFFFFFFF  }
0xad: {  	[dreg:$0x0] =	wrdreg $0x60  }
0xae: {  	[dreg:$0x2] =	wrdreg s24  }
0xaf: {  	[dreg:$0x3] =	wrdreg s2  }
0xb0: {  	[dreg:$0x4] =	wrdreg $0x9  }
0xb1: {  	_ =	task.clear_ibuf [dreg:s7], $0x5FFFF;
	_ =	strace $0x9000004F  }
0xb2: {  	s29 =	simm.s32 $0x9;
	_ =	strace $0x80000051  }
0xb3: {  	_ =	swait.ge [sflag:s29], $0x1  }
0xb4: {  	[sflag:s29] =	ssyncadd.s32 $0xFFFFFFFF  }
0xb5: {  	_ =	strace $0x90000051  }
0xb6: {  	_ =	sfence  }
0xb7: {  	s30 =	sld [smem:$0x0];
	_ =	sdelay $0x2  }
0xb8: {  	s31 =	sshll.u32 s1, $0xD;
	s1 =	sshrl.u32 s1, $0x2  }
0xb9: {  	s3 =	sand.u32 $0x4000, s31;
	s1 =	sadd.s32 s1, s30  }
0xba: {  	s0 =	sor.u32 s3, s0;
	s1 =	sshll.u32 s1, $0x11  }
0xbb: {  	s0 =	sor.u32 s1, s0  }
0xbc: {  	s0 =	sadd.s32 $0x8F2B, s0  }
0xbd: {  	[sflag:s0] =	ssyncadd.remote.s32 $0x1  }
0xbe: {  	_ =	sfence.sel $0xFFFF  }
0xbf: {  	[dreg:$0x0] =	wrdreg $0xFFFFFFFF;
	(pc) =	sbr.abs _section_cstart, $3  }
0xc0: {  	[dreg:$0x1] =	wrdreg $0xFFFFFFFF  }
0xc1: {  	_ =	task.clear_ibuf [dreg:s7], $0x2FFFF;
	_ =	strace $0x9FFFFFFF  }
0xc2: {  	(tm) =	ssettm $0x7FFFFFFF  }
0xc3: {  	_ =	shalt  }
tec
execute0_lowered:
.L_overlay_start_1:
0x0: {  	(tag) =	ssettag $0x1  }
0x1: {  	s1 =	srdreg.scid  }
0x2: {  	s8 =	rddreg [dreg:$0x0];
	s0 =	stileid.u32  }
0x3: {  	s3 =	rddreg [dreg:$0x1];
	s2 =	simm.s32 $0x0;
	s6 =	sand.u32 $0x1, s1  }
0x4: {  	s5 =	sshll.u32 s0, $0x7;
	s1 =	rddreg [dreg:$0x2];
	s4 =	sshll.u32 s6, $0xB  }
0x5: {  	s7 =	simm.s32 $0x1;
	[smem:$0x7FF] =	sst s2;
	s9 =	sor.u32 s5, s4  }
0x6: {  	_ =	strace $0x80000050;
	s10 =	ssub.s32 $0x2, s6;
	s4 =	sshrl.u32 s9, $0x3  }
0x7: {  	s6 =	simm.s32 $0x80;
	s4 =	sadd.s32 s3, s4;
	s3 =	simm.s32 $0x2  }
0x8: {  	[tilespmem:s2], [sflag:$0x2] =	stream.linear.gather [hbm4b:s4+s2], $0x80, $0x38;
	[tilespmem:$0x4080] =	vst v63  }
0x9: {  	s5 =	sadd.s32 $0x3800, s8;
	s11 =	sshrl.u32 s10, $0x1;
	_ =	swait.ge [sflag:s3], $0x80  }
0xa: {  	s9 =	sshll.u32 s9, $0x4;
	s31 =	ssub.s32 s10, s11;
	[sflag:s3] =	ssyncset.done $0x0  }
0xb: {  	s8 =	sadd.s32 s9, s8;
	s9 =	smax.u32 s31, $0x1;
	[sflag:s3] =	ssyncadd.s32 $0xFFFFFF80  }
0xc: {  	[tilespmem:s6], [sflag:$0x1] =	stream.indirect.gather [hbm4b:s5+s6], $0x80, s2, s6, $0xb8;
	[tilespmem:$0x4080] =	vst v63  }
0xd: {  	p0 =	sne.s32 s9, $0x1;
	_ =	swait.ge [sflag:s7], $0x4000  }
.Ltmp0:
0xe: {  	[sflag:s7] =	ssyncset.done $0x0;
	(pc) =	sbr.rel @!p0 .LBB2_2-.Ltmp0, $4  }
0xf: {  	s8 =	sadd.s32 $0x2AA00, s8;
	[sflag:s7] =	ssyncadd.s32 $0xFFFFC000  }
0x10: {  	[hbm4b:s8+s2] =	stream.linear.scatter [tilespmem:s6], [sflag:$0x2], $0x4000, $0x38;
	[tilespmem:$0x4080] =	vst v63  }
0x11: {  	_ =	swait.ge [sflag:s3], $0x4000  }
0x12: {  	s9 =	sadd.s32 $0xFFFFFFFF, s9;
	[sflag:s3] =	ssyncset.done $0x0  }
.LBB2_1:
0x13: {  	p0 =	sne.s32 s9, $0x1;
	s9 =	sadd.s32 $0xFFFFFFFF, s9;
	[sflag:s3] =	ssyncadd.s32 $0xFFFFC000  }
0x14: {  	[tilespmem:s2], [sflag:$0x2] =	stream.linear.gather [hbm4b:s4+s2], $0x80, $0x38;
	[tilespmem:$0x4080] =	vst v63  }
0x15: {  	_ =	swait.ge [sflag:s3], $0x80  }
0x16: {  	[sflag:s3] =	ssyncset.done $0x0  }
0x17: {  	[sflag:s3] =	ssyncadd.s32 $0xFFFFFF80  }
0x18: {  	[tilespmem:s6], [sflag:$0x1] =	stream.indirect.gather [hbm4b:s5+s6], $0x80, s2, s6, $0xb8;
	[tilespmem:$0x4080] =	vst v63  }
0x19: {  	_ =	swait.ge [sflag:s7], $0x4000  }
.Ltmp1:
0x1a: {  	[sflag:s7] =	ssyncset.done $0x0;
	(pc) =	sbr.rel @p0 .LBB2_1-.Ltmp1, $4  }
0x1b: {  	[sflag:s7] =	ssyncadd.s32 $0xFFFFC000  }
0x1c: {  	[hbm4b:s8+s2] =	stream.linear.scatter [tilespmem:s6], [sflag:$0x2], $0x4000, $0x38;
	[tilespmem:$0x4080] =	vst v63  }
0x1d: {  	_ =	swait.ge [sflag:s3], $0x4000  }
0x1e: {  	[sflag:s3] =	ssyncset.done $0x0  }
.LBB2_2:
0x1f: {  	[sflag:s3] =	ssyncadd.s32 $0xFFFFC000  }
0x20: {  	_ =	sfence.sel $0x180000  }
0x21: {  	[bflag:$0x0] =	sbarrier.arrive $0xFFFF  }
0x22: {  	p0 =	sne.s32 s0, $0x0;
	_ =	strace $0x90000050  }
0x23: {  	s0 =	sadd.s32 @!p0 $0x100000, s1;
	[bflag:$0x2] =	sbarrier.arrive $0xFFFF  }
0x24: {  	[sflag:s0] =	ssyncadd.tile.s32 @!p0 $0x1;
	_ =	shalt  }
.Lfunc_end2:
_tile_overlayer_lowered:
.L_overlay_start_2:
0x25: {  	(tag) =	ssettag $0x2  }
0x26: {  	s0 =	rddreg [dreg:$0x0];
	s2 =	stileid.u32  }
0x27: {  	s1 =	rddreg [dreg:$0x1];
	p0 =	sne.s32 s2, $0x0  }
0x28: {  	s3 =	rddreg [dreg:$0x2];
	[bflag:$0x3] =	sbarrier.arrive $0xFFFF;
	s2 =	simm.s32 @!p0 $0x1C02  }
0x29: {  	[timem:s3], [sflag:s2] =	dma.local @!p0 [hbm:s0], s1  }
0x2a: {  	s0 =	simm.s32 @!p0 $0x2  }
0x2b: {  	_ =	swait.ge @!p0 [sflag:s0], s1  }
0x2c: {  	s1 =	ssub.s32 @!p0 $0x0, s1;
	[sflag:s0] =	ssyncset.done @!p0 $0x0  }
0x2d: {  	[sflag:s0] =	ssyncadd.s32 @!p0 s1  }
0x2e: {  	[bflag:$0x3] =	sbarrier.arrive $0xFFFF  }
0x2f: {  	_ =	shalt  }

// kernel: sc_msg1.3.cloned.1.call-start
scs
__scs_entry_jumppad:
0x0: {  	(pc) =	sbr.rel $0x88, $3  }
0x1: {  	(tag) =	ssettag $0x0;
	lr =	simm.s32 $0x1  }
0x2: {  	[smem:$0x3F8F] =	sst lr;
	_ =	strace $0xD0000000  }
0x3: {  	_ = 	snop  }
0x4: {  	_ = 	snop  }
0x5: {  	_ = 	snop  }
0x6: {  	_ = 	snop  }
0x7: {  	_ = 	snop  }
__scs_overlays_trampoline_lowered:
0x8: {  	[smem:$0x3F9E] =	sst s0  }
0x9: {  	[smem:$0x3F9F] =	sst s1  }
0xa: {  	[smem:$0x3FA0] =	sst s2  }
0xb: {  	[smem:$0x3FA1] =	sst s3  }
0xc: {  	[smem:$0x3FA2] =	sst s4  }
0xd: {  	[smem:$0x3FA3] =	sst s5  }
0xe: {  	[smem:$0x3FA4] =	sst s6  }
0xf: {  	[smem:$0x3FA5] =	sst s7  }
0x10: {  	[smem:$0x3FA6] =	sst s8  }
0x11: {  	[smem:$0x3FA7] =	sst s9;
	s0 =	simm.s32 @!p0 $0x0  }
0x12: {  	s1 =	sld [smem:$0x3F8D];
	s0 =	simm.s32 @p0 $0x1  }
0x13: {  	[smem:$0x3FA8] =	sst s0;
	s0 =	simm.s32 @!p1 $0x0  }
0x14: {  	s2 =	sld [smem:$0x3F8C];
	s0 =	simm.s32 @p1 $0x1  }
0x15: {  	[smem:$0x3FA9] =	sst s0;
	s0 =	simm.s32 @!p2 $0x0  }
0x16: {  	s3 =	sld [smem:$0x3FDB];
	s0 =	simm.s32 @p2 $0x1  }
0x17: {  	s4 =	simm.s32 $0x1BF5;
	[smem:$0x3FAB] =	sst s0  }
0x18: {  	s0 =	sld [smem:$0x3F8E];
	_ =	swait.ge [sflag:s4], $0x0  }
0x19: {  	s7 =	sld [smem:$0x3F8F]  }
0x1a: {  	s8 =	sadd.s32 $0xFFFFE003, lr  }
0x1b: {  	s9 =	sadd.s32 $0xFFFFFEF7, lr;
	s5 =	simm.s32 $0xFFFFFFFF;
	p2 =	slt.u32 s8, $0xFFFFF086  }
0x1c: {  	p1 =	slt.u32 s9, $0xF7A;
	s5 =	simm.s32 @!p2 $0x0  }
0x1d: {  	s5 =	simm.s32 @p1 $0x1;
	p0 =	seq.s32 s7, s2  }
0x1e: {  	s7 =	smul.u32 @!p0 $0xF7A, s2;
	p2 =	seq.s32 @!p0 s5, $0x0  }
0x1f: {  	s9 =	smul.u32 $0xF7A, s1;
	s8 =	simm.s32 @!p0 $0x1BF5;
	p2 =	por !p2, p0  }
0x20: {  	[sflag:s8] =	ssyncset.s32 @!p0 $0xFFFFF086;
	s6 =	sadd.s32 @!p0 s3, s7;
	s7 =	simm.s32 @!p0 $0x108  }
0x21: {  	s3 =	sadd.s32 s3, s9;
	s6 =	sadd.s32 @!p0 $0x88, s6;
	s7 =	simm.s32 @p2 $0x1082  }
0x22: {  	[simem:s7], [sflag:s8] =	dma.local @!p0 [hbm:s6], $0xF7A  }
0x23: {  	s9 =	sor.u32 $0xD0000000, s2;
	s6 =	simm.s32 $0x108;
	_ =	swait.ge @!p0 [sflag:s8], $0x0  }
0x24: {  	s3 =	sadd.s32 $0x88, s3;
	s6 =	simm.s32 @!p1 $0x1082;
	[sflag:s4] =	ssyncset.s32 $0xFFFFF086  }
0x25: {  	[simem:s6], [sflag:s4] =	dma.local [hbm:s3], $0xF7A  }
0x26: {  	[smem:$0x3F8F] =	sst s1;
	(tag) =	ssettag s2;
	_ =	strace s9  }
0x27: {  	s1 =	sld [smem:$0x3F9F]  }
0x28: {  	s2 =	sld [smem:$0x3FA0]  }
0x29: {  	s4 =	sld [smem:$0x3FA2]  }
0x2a: {  	p0 =	seq.s32 s5, $0x0;
	s5 =	sld [smem:$0x3FA3]  }
0x2b: {  	s6 =	sld [smem:$0x3FA4]  }
0x2c: {  	s7 =	sld [smem:$0x3FA5]  }
0x2d: {  	s3 =	simm.s32 $0x108;
	s8 =	sld [smem:$0x3FA6]  }
0x2e: {  	s3 =	simm.s32 @!p0 $0x1082;
	s9 =	sld [smem:$0x3FA7]  }
0x2f: {  	lr =	sadd.s32 s0, s3;
	s0 =	sld [smem:$0x3F9E]  }
0x30: {  	s3 =	sld [smem:$0x3FA1]  }
0x31: {  	[smem:$0x3FAA] =	sst s10  }
0x32: {  	s10 =	sld [smem:$0x3FA8];
	_ =	sdelay $0x3  }
0x33: {  	p0 =	seq.s32 s10, $0x1;
	s10 =	sld [smem:$0x3FAA];
	_ =	sdelay $0x3  }
0x34: {  	[smem:$0x3FAA] =	sst s10  }
0x35: {  	s10 =	sld [smem:$0x3FA9];
	_ =	sdelay $0x3  }
0x36: {  	p1 =	seq.s32 s10, $0x1;
	s10 =	sld [smem:$0x3FAA];
	_ =	sdelay $0x3  }
0x37: {  	[smem:$0x3FAA] =	sst s10  }
0x38: {  	s10 =	sld [smem:$0x3FAB]  }
0x39: {  	_ = 	snop;
	(pc) =	sbr.ind lr, $3  }
0x3a: {  	_ = 	snop  }
0x3b: {  	_ = 	snop  }
0x3c: {  	p2 =	seq.s32 s10, $0x1;
	s10 =	sld [smem:$0x3FAA]  }
0x3d: {  	_ =	shalt  }
0x3e: {  	_ =	shalt  }
0x3f: {  	_ =	shalt  }
0x40: {  	_ =	shalt  }
0x41: {  	_ =	shalt  }
0x42: {  	_ =	shalt  }
0x43: {  	_ =	shalt  }
0x44: {  	_ =	shalt  }
0x45: {  	_ =	shalt  }
0x46: {  	_ =	shalt  }
0x47: {  	_ =	shalt  }
0x48: {  	_ =	shalt  }
0x49: {  	_ =	shalt  }
0x4a: {  	_ =	shalt  }
0x4b: {  	_ =	shalt  }
0x4c: {  	_ =	shalt  }
0x4d: {  	_ =	shalt  }
0x4e: {  	_ =	shalt  }
0x4f: {  	_ =	shalt  }
0x50: {  	_ =	shalt  }
0x51: {  	_ =	shalt  }
0x52: {  	_ =	shalt  }
0x53: {  	_ =	shalt  }
0x54: {  	_ =	shalt  }
0x55: {  	_ =	shalt  }
0x56: {  	_ =	shalt  }
0x57: {  	_ =	shalt  }
0x58: {  	_ =	shalt  }
0x59: {  	_ =	shalt  }
0x5a: {  	_ =	shalt  }
0x5b: {  	_ =	shalt  }
0x5c: {  	_ =	shalt  }
0x5d: {  	_ =	shalt  }
0x5e: {  	_ =	shalt  }
0x5f: {  	_ =	shalt  }
0x60: {  	_ =	shalt  }
0x61: {  	_ =	shalt  }
0x62: {  	_ =	shalt  }
0x63: {  	_ =	shalt  }
0x64: {  	_ =	shalt  }
0x65: {  	_ =	shalt  }
0x66: {  	_ =	shalt  }
0x67: {  	_ =	shalt  }
0x68: {  	_ =	shalt  }
0x69: {  	_ =	shalt  }
0x6a: {  	_ =	shalt  }
0x6b: {  	_ =	shalt  }
0x6c: {  	_ =	shalt  }
0x6d: {  	_ =	shalt  }
0x6e: {  	_ =	shalt  }
0x6f: {  	_ =	shalt  }
0x70: {  	_ =	shalt  }
0x71: {  	_ =	shalt  }
0x72: {  	_ =	shalt  }
0x73: {  	_ =	shalt  }
0x74: {  	_ =	shalt  }
0x75: {  	_ =	shalt  }
0x76: {  	_ =	shalt  }
0x77: {  	_ =	shalt  }
0x78: {  	_ =	shalt  }
0x79: {  	_ =	shalt  }
0x7a: {  	_ =	shalt  }
0x7b: {  	_ =	shalt  }
0x7c: {  	_ =	shalt  }
0x7d: {  	_ =	shalt  }
0x7e: {  	_ =	shalt  }
0x7f: {  	_ =	shalt  }
0x80: {  	_ =	shalt  }
0x81: {  	_ =	shalt  }
0x82: {  	_ =	shalt  }
0x83: {  	_ =	shalt  }
0x84: {  	_ =	shalt  }
0x85: {  	_ =	shalt  }
0x86: {  	_ =	shalt  }
0x87: {  	_ =	shalt  }
.Lfunc_end0:
.L_simem_size_0:
called_computation.1_lowered:
.L_overlay_start_0:
0x88: {  	s2 =	sld [smem:$0x3FD9]  }
0x89: {  	s3 =	sld [smem:$0x3FFE];
	_ =	sdelay $0x1  }
0x8a: {  	s1 =	srdreg.scid  }
0x8b: {  	s0 =	sand.u32 $0x1, s1  }
0x8c: {  	s16 =	sshll.u32 s0, $0xA;
	s2 =	sadd.s32 s3, s2  }
0x8d: {  	s2 =	sadd.s32 s2, s16  }
0x8e: {  	[smem:$0x3FB6] =	sst s2  }
0x8f: {  	_ = 	snop  }
0x90: {  	(tm) =	ssettm $0x1  }
0x91: {  	s17 =	sld [smem:$0x3FFB];
	_ =	sdelay $0x3  }
0x92: {  	_ =	strace s17  }
0x93: {  	s2 =	sld [smem:$0x3FFC];
	_ =	sdelay $0x3  }
0x94: {  	_ =	strace s2  }
0x95: {  	s2 =	sld [smem:$0x3FFD];
	_ =	sdelay $0x3  }
0x96: {  	_ =	strace s2  }
0x97: {  	_ =	strace $0x8FFFFFFF  }
0x98: {  	s18 =	sld [smem:$0x3FDB];
	_ =	sdelay $0x1  }
0x99: {  	s19 =	simm.s32 $_scs_section_size  }
0x9a: {  	s4 =	simm.s32 $_size__tile_overlayer_lowered;
	s5 =	simm.s32 $_tile_overlayer_lowered  }
0x9b: {  	s22 =	simm.s32 $0x1BFF;
	s21 =	sshll.u32 s5, $0x1;
	s2 =	sadd.s32 s19, s18  }
0x9c: {  	s6 =	simm.s32 $0x0;
	s20 =	sshll.u32 s4, $0x1;
	s4 =	sadd.s32 s21, s2  }
0x9d: {  	[timem:s6], [sflag:s22] =	dma.local [hbm:s4], s20  }
0x9e: {  	_ =	swait.ge [sflag:s22], s20  }
0x9f: {  	s3 =	ssub.s32 $0x0, s20;
	[sflag:s22] =	ssyncset.done $0x0  }
0xa0: {  	[sflag:s22] =	ssyncadd.s32 s3;
	_ =	sdelay $0x1  }
0xa1: {  	s23 =	simm.s32 $0x1B8B  }
0xa2: {  	_ =	swait.ge [sflag:s23], $0x1  }
0xa3: {  	[sflag:s23] =	ssyncset.done $0x0  }
0xa4: {  	s25 =	simm.s32 $0x1B8E;
	s24 =	sld [smem:$0x3FFE];
	[sflag:s23] =	ssyncadd.s32 $0xFFFFFFFF  }
0xa5: {  	s26 =	simm.s32 $execute0_lowered;
	[smem:$0x3FD2] =	sst s25  }
0xa6: {  	s4 =	sshll.u32 s26, $0x1;
	_ =	strace $0x80000049;
	[dreg:$0x1] =	wrdreg $0xFFFFFFFF  }
0xa7: {  	s28 =	simm.s32 $_size_execute0_lowered;
	s2 =	sadd.s32 s2, s4;
	[dreg:$0x0] =	wrdreg $0x0  }
0xa8: {  	s4 =	sshll.u32 s28, $0x1;
	[dreg:$0x2] =	wrdreg s2  }
0xa9: {  	[dreg:$0x3] =	wrdreg s4  }
0xaa: {  	[dreg:$0x4] =	wrdreg $0xC0  }
0xab: {  	_ =	task [dreg:s6], $0x5FFFF  }
0xac: {  	[dreg:$0x1] =	wrdreg $0xFFFFFFFF  }
0xad: {  	[dreg:$0x0] =	wrdreg $0x60  }
0xae: {  	[dreg:$0x2] =	wrdreg s24  }
0xaf: {  	[dreg:$0x3] =	wrdreg $0x98000  }
0xb0: {  	[dreg:$0x4] =	wrdreg $0x9  }
0xb1: {  	_ =	task.clear_ibuf [dreg:s6], $0x5FFFF;
	_ =	strace $0x90000049  }
0xb2: {  	s29 =	simm.s32 $0x9;
	_ =	strace $0x8000004B  }
0xb3: {  	_ =	swait.ge [sflag:s29], $0x1  }
0xb4: {  	[sflag:s29] =	ssyncadd.s32 $0xFFFFFFFF  }
0xb5: {  	_ =	strace $0x9000004B  }
0xb6: {  	_ =	sfence  }
0xb7: {  	s30 =	sld [smem:$0x0];
	_ =	sdelay $0x2  }
0xb8: {  	s31 =	sshll.u32 s1, $0xD;
	s1 =	sshrl.u32 s1, $0x2  }
0xb9: {  	s3 =	sand.u32 $0x4000, s31;
	s1 =	sadd.s32 s1, s30  }
0xba: {  	s0 =	sor.u32 s3, s0;
	s1 =	sshll.u32 s1, $0x11  }
0xbb: {  	s0 =	sor.u32 s1, s0  }
0xbc: {  	s0 =	sadd.s32 $0x8F2B, s0  }
0xbd: {  	[sflag:s0] =	ssyncadd.remote.s32 $0x1  }
0xbe: {  	_ =	sfence.sel $0xFFFF  }
0xbf: {  	[dreg:$0x0] =	wrdreg $0xFFFFFFFF;
	(pc) =	sbr.abs _section_cstart, $3  }
0xc0: {  	[dreg:$0x1] =	wrdreg $0xFFFFFFFF  }
0xc1: {  	_ =	task.clear_ibuf [dreg:s6], $0x2FFFF;
	_ =	strace $0x9FFFFFFF  }
0xc2: {  	(tm) =	ssettm $0x7FFFFFFF  }
0xc3: {  	_ =	shalt  }
tec
execute0_lowered:
.L_overlay_start_1:
0x0: {  	(tag) =	ssettag $0x1  }
0x1: {  	s5 =	rddreg [dreg:$0x0]  }
0x2: {  	s0 =	srdreg.scid;
	s2 =	rddreg [dreg:$0x1]  }
0x3: {  	s1 =	rddreg [dreg:$0x2];
	s3 =	simm.s32 $0x0;
	s15 =	simm.s32 $0x1C00  }
0x4: {  	s16 =	simm.s32 $0x60;
	s17 =	simm.s32 $0x3800;
	s18 =	simm.s32 $0x6800  }
0x5: {  	s19 =	simm.s32 $0x1;
	s20 =	simm.s32 $0x2;
	s6 =	sand.u32 $0x1, s0  }
0x6: {  	s21 =	simm.s32 $0x1A80;
	s0 =	stileid.u32;
	s4 =	smul.u32 $0x38000, s6  }
0x7: {  	s22 =	simm.s32 $0x3600;
	s23 =	simm.s32 $0x3680;
	s7 =	smul.u32 $0x3800, s0  }
0x8: {  	s24 =	simm.s32 $0x0;
	[smem:$0x7FF] =	sst s3;
	s8 =	smul.u32 $0x13C00, s0  }
0x9: {  	_ =	strace $0x8000004A;
	s10 =	smul.u32 $0x13C000, s6;
	s6 =	ssub.s32 $0x2, s6  }
0xa: {  	s28 =	smul.u32 $0x4F000, s0;
	s31 =	sshll.u32 s0, $0x6;
	s29 =	sshrl.u32 s6, $0x1  }
0xb: {  	s4 =	sadd.s32 s7, s4;
	s7 =	sshrl.u32 s7, $0x3;
	s26 =	sshrl.u32 s8, $0x3  }
0xc: {  	s8 =	sadd.s32 s8, s10;
	s13 =	ssub.s32 s6, s29;
	s30 =	sshrl.u32 s28, $0x2  }
0xd: {  	s6 =	sor.u32 $0x1C03, s31;
	s9 =	sshrl.u32 s4, $0x3;
	s4 =	sadd.s32 $0x32000, s5  }
0xe: {  	s11 =	sadd.s32 s7, s5;
	s8 =	sshrl.u32 s8, $0x3;
	s7 =	sadd.s32 s26, s5  }
0xf: {  	s14 =	sadd.s32 s30, s2;
	s9 =	sadd.s32 s9, s5;
	s12 =	sadd.s32 s8, s5  }
0x10: {  	s5 =	sadd.s32 $0xA800, s7;
	s8 =	sadd.s32 $0x81600, s11;
	s10 =	sadd.s32 $0x81980, s11  }
0x11: {  	s7 =	sadd.s32 $0x88600, s9;
	s9 =	sadd.s32 $0x88980, s9;
	s11 =	sadd.s32 $0x96600, s12  }
0x12: {  	s12 =	smax.u32 s13, $0x1;
	s13 =	sshrl.u32 s14, $0x3;
	s14 =	simm.s32 $0x3  }
.LBB2_1:
0x13: {  	[spmem:s13], [sflag:s6] =	dma.local [hbm:s5], $0x2780  }
0x14: {  	_ =	swait.ge [sflag:s14], $0x2780  }
0x15: {  	[sflag:s14] =	ssyncset.done $0x0  }
0x16: {  	[sflag:s14] =	ssyncadd.s32 $0xFFFFD880  }
0x17: {  	[bflag:$0x0] =	sbarrier.arrive $0xFFFF  }
0x18: {  	[tilespmem:s3], [sflag:$0x3] =	stream.linear.gather [hbm4b:s7+s3], $0x1B00, $0x38;
	[tilespmem:$0x1D400] =	vst v63  }
0x19: {  	_ =	swait.ge [sflag:s14], $0x1B00  }
0x1a: {  	[sflag:s14] =	ssyncset.done $0x0  }
0x1b: {  	[sflag:s14] =	ssyncadd.s32 $0xFFFFE500  }
0x1c: {  	[tilespmem:s15], [sflag:$0x3] =	stream.linear.gather [hbm4b:s8+s3], $0x1B00, $0x38;
	[tilespmem:$0x1D400] =	vst v63  }
0x1d: {  	_ =	swait.ge [sflag:s14], $0x1B00  }
0x1e: {  	[sflag:s14] =	ssyncset.done $0x0  }
0x1f: {  	[sflag:s14] =	ssyncadd.s32 $0xFFFFE500  }
0x20: {  	[tilespmem:s17], [sflag:$0x1] =	stream.indirect.gather [hbm4b:s4+s16], $0x80, s3, s16, $0xb8;
	[tilespmem:$0x1D400] =	vst v63  }
0x21: {  	s25 =	simm.s32 $0x80  }
0x22: {  	[tilespmem:s18], [sflag:$0x2] =	stream.indirect.gather [hbm4b:s4+s16], $0x80, s25, s16, $0xb8;
	[tilespmem:$0x1D400] =	vst v63  }
0x23: {  	_ =	swait.ge [sflag:s19], $0x3000  }
0x24: {  	[sflag:s19] =	ssyncset.done $0x0  }
0x25: {  	s29 =	simm.s32 $0x1C00;
	[sflag:s19] =	ssyncadd.s32 $0xFFFFD000  }
0x26: {  	[spmem:s2] =	stream.indirect.scatter.add.f32 [tilespmem:s17], [sflag:$0x3], $0x80, s29, s16, $0xb8;
	[tilespmem:$0x1D400] =	vst v63  }
0x27: {  	_ =	swait.ge [sflag:s14], $0x3000  }
0x28: {  	[sflag:s14] =	ssyncset.done $0x0  }
0x29: {  	s30 =	simm.s32 $0x100;
	[sflag:s14] =	ssyncadd.s32 $0xFFFFD000  }
0x2a: {  	[tilespmem:s17], [sflag:$0x1] =	stream.indirect.gather [hbm4b:s4+s16], $0x80, s30, s16, $0xb8;
	[tilespmem:$0x1D400] =	vst v63  }
0x2b: {  	_ =	swait.ge [sflag:s20], $0x3000  }
0x2c: {  	[sflag:s20] =	ssyncset.done $0x0  }
0x2d: {  	s31 =	simm.s32 $0x1C80;
	[sflag:s20] =	ssyncadd.s32 $0xFFFFD000  }
0x2e: {  	[spmem:s2] =	stream.indirect.scatter.add.f32 [tilespmem:s18], [sflag:$0x3], $0x80, s31, s16, $0xb8;
	[tilespmem:$0x1D400] =	vst v63  }
0x2f: {  	_ =	swait.ge [sflag:s14], $0x3000  }
0x30: {  	s26 =	simm.s32 $0x800;
	s25 =	simm.s32 $0x100;
	[sflag:s14] =	ssyncset.done $0x0  }
.LBB2_2:
0x31: {  	s28 =	sadd.s32 $0x80, s25  }
0x32: {  	[sflag:s14] =	ssyncadd.s32 $0xFFFFD000;
	s29 =	smov.u32 s26;
	s30 =	sadd.s32 $0x400, s26  }
0x33: {  	[tilespmem:s18], [sflag:$0x2] =	stream.indirect.gather [hbm4b:s4+s16], $0x80, s28, s16, $0xb8;
	[tilespmem:$0x1D400] =	vst v63  }
0x34: {  	p0 =	sne.s32 s26, $0x6400;
	_ =	swait.ge [sflag:s19], $0x3000  }
0x35: {  	[sflag:s19] =	ssyncset.done $0x0  }
0x36: {  	s26 =	sadd.s32 $0x1C00, s25;
	[sflag:s19] =	ssyncadd.s32 $0xFFFFD000  }
0x37: {  	[spmem:s2] =	stream.indirect.scatter.add.f32 [tilespmem:s17], [sflag:$0x3], $0x80, s26, s16, $0xb8;
	[tilespmem:$0x1D400] =	vst v63  }
0x38: {  	_ =	swait.ge [sflag:s14], $0x3000  }
0x39: {  	[sflag:s14] =	ssyncset.done $0x0  }
0x3a: {  	s26 =	sadd.s32 $0x100, s25;
	[sflag:s14] =	ssyncadd.s32 $0xFFFFD000  }
0x3b: {  	[tilespmem:s17], [sflag:$0x1] =	stream.indirect.gather [hbm4b:s4+s16], $0x80, s26, s16, $0xb8;
	[tilespmem:$0x1D400] =	vst v63  }
0x3c: {  	_ =	swait.ge [sflag:s20], $0x3000  }
.Ltmp0:
0x3d: {  	[sflag:s20] =	ssyncset.done $0x0;
	(pc) =	sbr.rel @p0 .LBB2_2-.Ltmp0, $4  }
0x3e: {  	s25 =	sadd.s32 $0x1C80, s25;
	[sflag:s20] =	ssyncadd.s32 $0xFFFFD000  }
0x3f: {  	[spmem:s2] =	stream.indirect.scatter.add.f32 [tilespmem:s18], [sflag:$0x3], $0x80, s25, s16, $0xb8;
	[tilespmem:$0x1D400] =	vst v63  }
0x40: {  	_ =	swait.ge [sflag:s14], $0x3000  }
0x41: {  	s26 =	smov.u32 s30;
	s25 =	sshra.s32 s29, $0x2;
	[sflag:s14] =	ssyncset.done $0x0  }
0x42: {  	s26 =	sadd.s32 $0x80, s25;
	[sflag:s14] =	ssyncadd.s32 $0xFFFFD000  }
0x43: {  	[tilespmem:s18], [sflag:$0x2] =	stream.indirect.gather [hbm4b:s4+s16], $0x80, s26, s16, $0xb8;
	[tilespmem:$0x1D400] =	vst v63  }
0x44: {  	_ =	swait.ge [sflag:s19], $0x3000  }
0x45: {  	[sflag:s19] =	ssyncset.done $0x0  }
0x46: {  	s29 =	sadd.s32 $0x1C00, s25;
	[sflag:s19] =	ssyncadd.s32 $0xFFFFD000  }
0x47: {  	[spmem:s2] =	stream.indirect.scatter.add.f32 [tilespmem:s17], [sflag:$0x3], $0x80, s29, s16, $0xb8;
	[tilespmem:$0x1D400] =	vst v63  }
0x48: {  	_ =	swait.ge [sflag:s14], $0x3000  }
0x49: {  	[sflag:s14] =	ssyncset.done $0x0  }
0x4a: {  	s30 =	sadd.s32 $0x100, s25;
	[sflag:s14] =	ssyncadd.s32 $0xFFFFD000  }
0x4b: {  	[tilespmem:s17], [sflag:$0x1] =	stream.indirect.gather [hbm4b:s4+s16], $0x80, s30, s16, $0xb8;
	[tilespmem:$0x1D400] =	vst v63  }
0x4c: {  	_ =	swait.ge [sflag:s20], $0x3000  }
0x4d: {  	[sflag:s20] =	ssyncset.done $0x0  }
0x4e: {  	s31 =	sadd.s32 $0x1C80, s25;
	[sflag:s20] =	ssyncadd.s32 $0xFFFFD000  }
0x4f: {  	[spmem:s2] =	stream.indirect.scatter.add.f32 [tilespmem:s18], [sflag:$0x3], $0x80, s31, s16, $0xb8;
	[tilespmem:$0x1D400] =	vst v63  }
0x50: {  	_ =	swait.ge [sflag:s14], $0x3000  }
0x51: {  	[sflag:s14] =	ssyncset.done $0x0  }
0x52: {  	[sflag:s14] =	ssyncadd.s32 $0xFFFFD000  }
0x53: {  	[tilespmem:s18], [sflag:$0x2] =	stream.indirect.gather [hbm4b:s4+s16], $0x80, s21, s16, $0xb8;
	[tilespmem:$0x1D400] =	vst v63  }
0x54: {  	_ =	swait.ge [sflag:s19], $0x3000  }
0x55: {  	[sflag:s19] =	ssyncset.done $0x0  }
0x56: {  	[sflag:s19] =	ssyncadd.s32 $0xFFFFD000  }
0x57: {  	[spmem:s2] =	stream.indirect.scatter.add.f32 [tilespmem:s17], [sflag:$0x3], $0x80, s22, s16, $0xb8;
	[tilespmem:$0x1D400] =	vst v63  }
0x58: {  	_ =	swait.ge [sflag:s14], $0x3000  }
0x59: {  	[sflag:s14] =	ssyncset.done $0x0  }
0x5a: {  	[sflag:s14] =	ssyncadd.s32 $0xFFFFD000  }
0x5b: {  	_ =	swait.ge [sflag:s20], $0x3000  }
0x5c: {  	[sflag:s20] =	ssyncset.done $0x0  }
0x5d: {  	[sflag:s20] =	ssyncadd.s32 $0xFFFFD000  }
0x5e: {  	[spmem:s2] =	stream.indirect.scatter.add.f32 [tilespmem:s18], [sflag:$0x3], $0x80, s23, s16, $0xb8;
	[tilespmem:$0x1D400] =	vst v63  }
0x5f: {  	_ =	swait.ge [sflag:s14], $0x3000  }
0x60: {  	[sflag:s14] =	ssyncset.done $0x0  }
0x61: {  	s26 =	simm.s32 $0x0;
	[sflag:s14] =	ssyncadd.s32 $0xFFFFD000  }
0x62: {  	[tilespmem:s26], [sflag:$0x3] =	stream.linear.gather [hbm4b:s9+s26], $0x1B00, $0x38;
	[tilespmem:$0x1D400] =	vst v63  }
0x63: {  	_ =	swait.ge [sflag:s14], $0x1B00  }
0x64: {  	[sflag:s14] =	ssyncset.done $0x0  }
0x65: {  	[sflag:s14] =	ssyncadd.s32 $0xFFFFE500  }
0x66: {  	[tilespmem:s15], [sflag:$0x3] =	stream.linear.gather [hbm4b:s10+s26], $0x1B00, $0x38;
	[tilespmem:$0x1D400] =	vst v63  }
0x67: {  	_ =	swait.ge [sflag:s14], $0x1B00  }
0x68: {  	[sflag:s14] =	ssyncset.done $0x0  }
0x69: {  	[sflag:s14] =	ssyncadd.s32 $0xFFFFE500  }
0x6a: {  	[tilespmem:s17], [sflag:$0x1] =	stream.indirect.gather [hbm4b:s4+s16], $0x80, s26, s16, $0xb8;
	[tilespmem:$0x1D400] =	vst v63  }
0x6b: {  	s28 =	simm.s32 $0x80  }
0x6c: {  	[tilespmem:s18], [sflag:$0x2] =	stream.indirect.gather [hbm4b:s4+s16], $0x80, s28, s16, $0xb8;
	[tilespmem:$0x1D400] =	vst v63  }
0x6d: {  	_ =	swait.ge [sflag:s19], $0x3000  }
0x6e: {  	[sflag:s19] =	ssyncset.done $0x0  }
0x6f: {  	s29 =	simm.s32 $0x1C00;
	[sflag:s19] =	ssyncadd.s32 $0xFFFFD000  }
0x70: {  	[spmem:s2] =	stream.indirect.scatter.add.f32 [tilespmem:s17], [sflag:$0x3], $0x80, s29, s16, $0xb8;
	[tilespmem:$0x1D400] =	vst v63  }
0x71: {  	_ =	swait.ge [sflag:s14], $0x3000  }
0x72: {  	[sflag:s14] =	ssyncset.done $0x0  }
0x73: {  	s30 =	simm.s32 $0x100;
	[sflag:s14] =	ssyncadd.s32 $0xFFFFD000  }
0x74: {  	[tilespmem:s17], [sflag:$0x1] =	stream.indirect.gather [hbm4b:s4+s16], $0x80, s30, s16, $0xb8;
	[tilespmem:$0x1D400] =	vst v63  }
0x75: {  	_ =	swait.ge [sflag:s20], $0x3000  }
0x76: {  	[sflag:s20] =	ssyncset.done $0x0  }
0x77: {  	s31 =	simm.s32 $0x1C80;
	[sflag:s20] =	ssyncadd.s32 $0xFFFFD000  }
0x78: {  	[spmem:s2] =	stream.indirect.scatter.add.f32 [tilespmem:s18], [sflag:$0x3], $0x80, s31, s16, $0xb8;
	[tilespmem:$0x1D400] =	vst v63  }
0x79: {  	_ =	swait.ge [sflag:s14], $0x3000  }
0x7a: {  	s25 =	simm.s32 $0x100;
	s26 =	simm.s32 $0x800;
	[sflag:s14] =	ssyncset.done $0x0  }
.LBB2_4:
0x7b: {  	s28 =	sadd.s32 $0x80, s25  }
0x7c: {  	[sflag:s14] =	ssyncadd.s32 $0xFFFFD000;
	s29 =	smov.u32 s26;
	s30 =	sadd.s32 $0x400, s26  }
0x7d: {  	[tilespmem:s18], [sflag:$0x2] =	stream.indirect.gather [hbm4b:s4+s16], $0x80, s28, s16, $0xb8;
	[tilespmem:$0x1D400] =	vst v63  }
0x7e: {  	p0 =	sne.s32 s26, $0x6400;
	_ =	swait.ge [sflag:s19], $0x3000  }
0x7f: {  	[sflag:s19] =	ssyncset.done $0x0  }
0x80: {  	s26 =	sadd.s32 $0x1C00, s25;
	[sflag:s19] =	ssyncadd.s32 $0xFFFFD000  }
0x81: {  	[spmem:s2] =	stream.indirect.scatter.add.f32 [tilespmem:s17], [sflag:$0x3], $0x80, s26, s16, $0xb8;
	[tilespmem:$0x1D400] =	vst v63  }
0x82: {  	_ =	swait.ge [sflag:s14], $0x3000  }
0x83: {  	[sflag:s14] =	ssyncset.done $0x0  }
0x84: {  	s26 =	sadd.s32 $0x100, s25;
	[sflag:s14] =	ssyncadd.s32 $0xFFFFD000  }
0x85: {  	[tilespmem:s17], [sflag:$0x1] =	stream.indirect.gather [hbm4b:s4+s16], $0x80, s26, s16, $0xb8;
	[tilespmem:$0x1D400] =	vst v63  }
0x86: {  	_ =	swait.ge [sflag:s20], $0x3000  }
.Ltmp1:
0x87: {  	[sflag:s20] =	ssyncset.done $0x0;
	(pc) =	sbr.rel @p0 .LBB2_4-.Ltmp1, $4  }
0x88: {  	s25 =	sadd.s32 $0x1C80, s25;
	[sflag:s20] =	ssyncadd.s32 $0xFFFFD000  }
0x89: {  	[spmem:s2] =	stream.indirect.scatter.add.f32 [tilespmem:s18], [sflag:$0x3], $0x80, s25, s16, $0xb8;
	[tilespmem:$0x1D400] =	vst v63  }
0x8a: {  	_ =	swait.ge [sflag:s14], $0x3000  }
0x8b: {  	s26 =	smov.u32 s30;
	s25 =	sshra.s32 s29, $0x2;
	[sflag:s14] =	ssyncset.done $0x0  }
0x8c: {  	s26 =	sadd.s32 $0x80, s25;
	[sflag:s14] =	ssyncadd.s32 $0xFFFFD000  }
0x8d: {  	[tilespmem:s18], [sflag:$0x2] =	stream.indirect.gather [hbm4b:s4+s16], $0x80, s26, s16, $0xb8;
	[tilespmem:$0x1D400] =	vst v63  }
0x8e: {  	_ =	swait.ge [sflag:s19], $0x3000  }
0x8f: {  	[sflag:s19] =	ssyncset.done $0x0  }
0x90: {  	s29 =	sadd.s32 $0x1C00, s25;
	[sflag:s19] =	ssyncadd.s32 $0xFFFFD000  }
0x91: {  	[spmem:s2] =	stream.indirect.scatter.add.f32 [tilespmem:s17], [sflag:$0x3], $0x80, s29, s16, $0xb8;
	[tilespmem:$0x1D400] =	vst v63  }
0x92: {  	_ =	swait.ge [sflag:s14], $0x3000  }
0x93: {  	[sflag:s14] =	ssyncset.done $0x0  }
0x94: {  	s30 =	sadd.s32 $0x100, s25;
	[sflag:s14] =	ssyncadd.s32 $0xFFFFD000  }
0x95: {  	[tilespmem:s17], [sflag:$0x1] =	stream.indirect.gather [hbm4b:s4+s16], $0x80, s30, s16, $0xb8;
	[tilespmem:$0x1D400] =	vst v63  }
0x96: {  	_ =	swait.ge [sflag:s20], $0x3000  }
0x97: {  	[sflag:s20] =	ssyncset.done $0x0  }
0x98: {  	s31 =	sadd.s32 $0x1C80, s25;
	[sflag:s20] =	ssyncadd.s32 $0xFFFFD000  }
0x99: {  	[spmem:s2] =	stream.indirect.scatter.add.f32 [tilespmem:s18], [sflag:$0x3], $0x80, s31, s16, $0xb8;
	[tilespmem:$0x1D400] =	vst v63  }
0x9a: {  	_ =	swait.ge [sflag:s14], $0x3000  }
0x9b: {  	[sflag:s14] =	ssyncset.done $0x0  }
0x9c: {  	[sflag:s14] =	ssyncadd.s32 $0xFFFFD000  }
0x9d: {  	[tilespmem:s18], [sflag:$0x2] =	stream.indirect.gather [hbm4b:s4+s16], $0x80, s21, s16, $0xb8;
	[tilespmem:$0x1D400] =	vst v63  }
0x9e: {  	_ =	swait.ge [sflag:s19], $0x3000  }
0x9f: {  	[sflag:s19] =	ssyncset.done $0x0  }
0xa0: {  	[sflag:s19] =	ssyncadd.s32 $0xFFFFD000  }
0xa1: {  	[spmem:s2] =	stream.indirect.scatter.add.f32 [tilespmem:s17], [sflag:$0x3], $0x80, s22, s16, $0xb8;
	[tilespmem:$0x1D400] =	vst v63  }
0xa2: {  	_ =	swait.ge [sflag:s14], $0x3000  }
0xa3: {  	[sflag:s14] =	ssyncset.done $0x0  }
0xa4: {  	[sflag:s14] =	ssyncadd.s32 $0xFFFFD000  }
0xa5: {  	_ =	swait.ge [sflag:s20], $0x3000  }
0xa6: {  	[sflag:s20] =	ssyncset.done $0x0  }
0xa7: {  	[sflag:s20] =	ssyncadd.s32 $0xFFFFD000  }
0xa8: {  	[spmem:s2] =	stream.indirect.scatter.add.f32 [tilespmem:s18], [sflag:$0x3], $0x80, s23, s16, $0xb8;
	[tilespmem:$0x1D400] =	vst v63  }
0xa9: {  	_ =	swait.ge [sflag:s14], $0x3000  }
0xaa: {  	s24 =	sadd.s32 $0x1, s24;
	[sflag:s14] =	ssyncset.done $0x0  }
0xab: {  	p0 =	sne.s32 s24, s12;
	[sflag:s14] =	ssyncadd.s32 $0xFFFFD000  }
.Ltmp2:
0xac: {  	[bflag:$0x0] =	sbarrier.arrive $0xFFFF;
	(pc) =	sbr.rel @p0 .LBB2_1-.Ltmp2, $4  }
0xad: {  	[hbm:s11], [sflag:s6] =	dma.local [spmem:s13], $0x2780  }
0xae: {  	_ =	swait.ge [sflag:s14], $0x2780  }
0xaf: {  	[sflag:s14] =	ssyncset.done $0x0  }
0xb0: {  	[sflag:s14] =	ssyncadd.s32 $0xFFFFD880  }
0xb1: {  	_ =	sfence.sel $0x180000  }
0xb2: {  	[bflag:$0x0] =	sbarrier.arrive $0xFFFF  }
0xb3: {  	p0 =	sne.s32 s0, $0x0;
	_ =	strace $0x9000004A  }
0xb4: {  	s0 =	sadd.s32 @!p0 $0x100000, s1;
	[bflag:$0x2] =	sbarrier.arrive $0xFFFF  }
0xb5: {  	[sflag:s0] =	ssyncadd.tile.s32 @!p0 $0x1;
	_ =	shalt  }
.Lfunc_end2:
_tile_overlayer_lowered:
.L_overlay_start_2:
0xb6: {  	(tag) =	ssettag $0x2  }
0xb7: {  	s0 =	rddreg [dreg:$0x0];
	s2 =	stileid.u32  }
0xb8: {  	s1 =	rddreg [dreg:$0x1];
	p0 =	sne.s32 s2, $0x0  }
0xb9: {  	s3 =	rddreg [dreg:$0x2];
	[bflag:$0x3] =	sbarrier.arrive $0xFFFF;
	s2 =	simm.s32 @!p0 $0x1C03  }
0xba: {  	[timem:s3], [sflag:s2] =	dma.local @!p0 [hbm:s0], s1  }
0xbb: {  	s0 =	simm.s32 @!p0 $0x3  }
0xbc: {  	_ =	swait.ge @!p0 [sflag:s0], s1  }
0xbd: {  	s1 =	ssub.s32 @!p0 $0x0, s1;
	[sflag:s0] =	ssyncset.done @!p0 $0x0  }
0xbe: {  	[sflag:s0] =	ssyncadd.s32 @!p0 s1  }
0xbf: {  	[bflag:$0x3] =	sbarrier.arrive $0xFFFF  }
0xc0: {  	_ =	shalt  }

// kernel: sc_msg2.3.cloned.1.call-start
scs
__scs_entry_jumppad:
0x0: {  	(pc) =	sbr.rel $0x88, $3  }
0x1: {  	(tag) =	ssettag $0x0;
	lr =	simm.s32 $0x1  }
0x2: {  	[smem:$0x3F8F] =	sst lr;
	_ =	strace $0xD0000000  }
0x3: {  	_ = 	snop  }
0x4: {  	_ = 	snop  }
0x5: {  	_ = 	snop  }
0x6: {  	_ = 	snop  }
0x7: {  	_ = 	snop  }
__scs_overlays_trampoline_lowered:
0x8: {  	[smem:$0x3F9E] =	sst s0  }
0x9: {  	[smem:$0x3F9F] =	sst s1  }
0xa: {  	[smem:$0x3FA0] =	sst s2  }
0xb: {  	[smem:$0x3FA1] =	sst s3  }
0xc: {  	[smem:$0x3FA2] =	sst s4  }
0xd: {  	[smem:$0x3FA3] =	sst s5  }
0xe: {  	[smem:$0x3FA4] =	sst s6  }
0xf: {  	[smem:$0x3FA5] =	sst s7  }
0x10: {  	[smem:$0x3FA6] =	sst s8  }
0x11: {  	[smem:$0x3FA7] =	sst s9;
	s0 =	simm.s32 @!p0 $0x0  }
0x12: {  	s1 =	sld [smem:$0x3F8D];
	s0 =	simm.s32 @p0 $0x1  }
0x13: {  	[smem:$0x3FA8] =	sst s0;
	s0 =	simm.s32 @!p1 $0x0  }
0x14: {  	s2 =	sld [smem:$0x3F8C];
	s0 =	simm.s32 @p1 $0x1  }
0x15: {  	[smem:$0x3FA9] =	sst s0;
	s0 =	simm.s32 @!p2 $0x0  }
0x16: {  	s3 =	sld [smem:$0x3FDB];
	s0 =	simm.s32 @p2 $0x1  }
0x17: {  	s4 =	simm.s32 $0x1BF5;
	[smem:$0x3FAB] =	sst s0  }
0x18: {  	s0 =	sld [smem:$0x3F8E];
	_ =	swait.ge [sflag:s4], $0x0  }
0x19: {  	s7 =	sld [smem:$0x3F8F]  }
0x1a: {  	s8 =	sadd.s32 $0xFFFFE003, lr  }
0x1b: {  	s9 =	sadd.s32 $0xFFFFFEF7, lr;
	s5 =	simm.s32 $0xFFFFFFFF;
	p2 =	slt.u32 s8, $0xFFFFF086  }
0x1c: {  	p1 =	slt.u32 s9, $0xF7A;
	s5 =	simm.s32 @!p2 $0x0  }
0x1d: {  	s5 =	simm.s32 @p1 $0x1;
	p0 =	seq.s32 s7, s2  }
0x1e: {  	s7 =	smul.u32 @!p0 $0xF7A, s2;
	p2 =	seq.s32 @!p0 s5, $0x0  }
0x1f: {  	s9 =	smul.u32 $0xF7A, s1;
	s8 =	simm.s32 @!p0 $0x1BF5;
	p2 =	por !p2, p0  }
0x20: {  	[sflag:s8] =	ssyncset.s32 @!p0 $0xFFFFF086;
	s6 =	sadd.s32 @!p0 s3, s7;
	s7 =	simm.s32 @!p0 $0x108  }
0x21: {  	s3 =	sadd.s32 s3, s9;
	s6 =	sadd.s32 @!p0 $0x88, s6;
	s7 =	simm.s32 @p2 $0x1082  }
0x22: {  	[simem:s7], [sflag:s8] =	dma.local @!p0 [hbm:s6], $0xF7A  }
0x23: {  	s9 =	sor.u32 $0xD0000000, s2;
	s6 =	simm.s32 $0x108;
	_ =	swait.ge @!p0 [sflag:s8], $0x0  }
0x24: {  	s3 =	sadd.s32 $0x88, s3;
	s6 =	simm.s32 @!p1 $0x1082;
	[sflag:s4] =	ssyncset.s32 $0xFFFFF086  }
0x25: {  	[simem:s6], [sflag:s4] =	dma.local [hbm:s3], $0xF7A  }
0x26: {  	[smem:$0x3F8F] =	sst s1;
	(tag) =	ssettag s2;
	_ =	strace s9  }
0x27: {  	s1 =	sld [smem:$0x3F9F]  }
0x28: {  	s2 =	sld [smem:$0x3FA0]  }
0x29: {  	s4 =	sld [smem:$0x3FA2]  }
0x2a: {  	p0 =	seq.s32 s5, $0x0;
	s5 =	sld [smem:$0x3FA3]  }
0x2b: {  	s6 =	sld [smem:$0x3FA4]  }
0x2c: {  	s7 =	sld [smem:$0x3FA5]  }
0x2d: {  	s3 =	simm.s32 $0x108;
	s8 =	sld [smem:$0x3FA6]  }
0x2e: {  	s3 =	simm.s32 @!p0 $0x1082;
	s9 =	sld [smem:$0x3FA7]  }
0x2f: {  	lr =	sadd.s32 s0, s3;
	s0 =	sld [smem:$0x3F9E]  }
0x30: {  	s3 =	sld [smem:$0x3FA1]  }
0x31: {  	[smem:$0x3FAA] =	sst s10  }
0x32: {  	s10 =	sld [smem:$0x3FA8];
	_ =	sdelay $0x3  }
0x33: {  	p0 =	seq.s32 s10, $0x1;
	s10 =	sld [smem:$0x3FAA];
	_ =	sdelay $0x3  }
0x34: {  	[smem:$0x3FAA] =	sst s10  }
0x35: {  	s10 =	sld [smem:$0x3FA9];
	_ =	sdelay $0x3  }
0x36: {  	p1 =	seq.s32 s10, $0x1;
	s10 =	sld [smem:$0x3FAA];
	_ =	sdelay $0x3  }
0x37: {  	[smem:$0x3FAA] =	sst s10  }
0x38: {  	s10 =	sld [smem:$0x3FAB]  }
0x39: {  	_ = 	snop;
	(pc) =	sbr.ind lr, $3  }
0x3a: {  	_ = 	snop  }
0x3b: {  	_ = 	snop  }
0x3c: {  	p2 =	seq.s32 s10, $0x1;
	s10 =	sld [smem:$0x3FAA]  }
0x3d: {  	_ =	shalt  }
0x3e: {  	_ =	shalt  }
0x3f: {  	_ =	shalt  }
0x40: {  	_ =	shalt  }
0x41: {  	_ =	shalt  }
0x42: {  	_ =	shalt  }
0x43: {  	_ =	shalt  }
0x44: {  	_ =	shalt  }
0x45: {  	_ =	shalt  }
0x46: {  	_ =	shalt  }
0x47: {  	_ =	shalt  }
0x48: {  	_ =	shalt  }
0x49: {  	_ =	shalt  }
0x4a: {  	_ =	shalt  }
0x4b: {  	_ =	shalt  }
0x4c: {  	_ =	shalt  }
0x4d: {  	_ =	shalt  }
0x4e: {  	_ =	shalt  }
0x4f: {  	_ =	shalt  }
0x50: {  	_ =	shalt  }
0x51: {  	_ =	shalt  }
0x52: {  	_ =	shalt  }
0x53: {  	_ =	shalt  }
0x54: {  	_ =	shalt  }
0x55: {  	_ =	shalt  }
0x56: {  	_ =	shalt  }
0x57: {  	_ =	shalt  }
0x58: {  	_ =	shalt  }
0x59: {  	_ =	shalt  }
0x5a: {  	_ =	shalt  }
0x5b: {  	_ =	shalt  }
0x5c: {  	_ =	shalt  }
0x5d: {  	_ =	shalt  }
0x5e: {  	_ =	shalt  }
0x5f: {  	_ =	shalt  }
0x60: {  	_ =	shalt  }
0x61: {  	_ =	shalt  }
0x62: {  	_ =	shalt  }
0x63: {  	_ =	shalt  }
0x64: {  	_ =	shalt  }
0x65: {  	_ =	shalt  }
0x66: {  	_ =	shalt  }
0x67: {  	_ =	shalt  }
0x68: {  	_ =	shalt  }
0x69: {  	_ =	shalt  }
0x6a: {  	_ =	shalt  }
0x6b: {  	_ =	shalt  }
0x6c: {  	_ =	shalt  }
0x6d: {  	_ =	shalt  }
0x6e: {  	_ =	shalt  }
0x6f: {  	_ =	shalt  }
0x70: {  	_ =	shalt  }
0x71: {  	_ =	shalt  }
0x72: {  	_ =	shalt  }
0x73: {  	_ =	shalt  }
0x74: {  	_ =	shalt  }
0x75: {  	_ =	shalt  }
0x76: {  	_ =	shalt  }
0x77: {  	_ =	shalt  }
0x78: {  	_ =	shalt  }
0x79: {  	_ =	shalt  }
0x7a: {  	_ =	shalt  }
0x7b: {  	_ =	shalt  }
0x7c: {  	_ =	shalt  }
0x7d: {  	_ =	shalt  }
0x7e: {  	_ =	shalt  }
0x7f: {  	_ =	shalt  }
0x80: {  	_ =	shalt  }
0x81: {  	_ =	shalt  }
0x82: {  	_ =	shalt  }
0x83: {  	_ =	shalt  }
0x84: {  	_ =	shalt  }
0x85: {  	_ =	shalt  }
0x86: {  	_ =	shalt  }
0x87: {  	_ =	shalt  }
.Lfunc_end0:
.L_simem_size_0:
called_computation.2_lowered:
.L_overlay_start_0:
0x88: {  	s2 =	sld [smem:$0x3FD9]  }
0x89: {  	s3 =	sld [smem:$0x3FFE];
	_ =	sdelay $0x1  }
0x8a: {  	s1 =	srdreg.scid  }
0x8b: {  	s0 =	sand.u32 $0x1, s1  }
0x8c: {  	s16 =	sshll.u32 s0, $0xA;
	s2 =	sadd.s32 s3, s2  }
0x8d: {  	s2 =	sadd.s32 s2, s16  }
0x8e: {  	[smem:$0x3FB6] =	sst s2  }
0x8f: {  	_ = 	snop  }
0x90: {  	(tm) =	ssettm $0x1  }
0x91: {  	s17 =	sld [smem:$0x3FFB];
	_ =	sdelay $0x3  }
0x92: {  	_ =	strace s17  }
0x93: {  	s2 =	sld [smem:$0x3FFC];
	_ =	sdelay $0x3  }
0x94: {  	_ =	strace s2  }
0x95: {  	s2 =	sld [smem:$0x3FFD];
	_ =	sdelay $0x3  }
0x96: {  	_ =	strace s2  }
0x97: {  	_ =	strace $0x8FFFFFFF  }
0x98: {  	s18 =	sld [smem:$0x3FDB];
	_ =	sdelay $0x1  }
0x99: {  	s19 =	simm.s32 $_scs_section_size  }
0x9a: {  	s4 =	simm.s32 $_size__tile_overlayer_lowered;
	s5 =	simm.s32 $_tile_overlayer_lowered  }
0x9b: {  	s22 =	simm.s32 $0x1BFF;
	s21 =	sshll.u32 s5, $0x1;
	s2 =	sadd.s32 s19, s18  }
0x9c: {  	s6 =	simm.s32 $0x0;
	s20 =	sshll.u32 s4, $0x1;
	s4 =	sadd.s32 s21, s2  }
0x9d: {  	[timem:s6], [sflag:s22] =	dma.local [hbm:s4], s20  }
0x9e: {  	_ =	swait.ge [sflag:s22], s20  }
0x9f: {  	s3 =	ssub.s32 $0x0, s20;
	[sflag:s22] =	ssyncset.done $0x0  }
0xa0: {  	[sflag:s22] =	ssyncadd.s32 s3;
	_ =	sdelay $0x1  }
0xa1: {  	s23 =	simm.s32 $0x1B8B  }
0xa2: {  	_ =	swait.ge [sflag:s23], $0x1  }
0xa3: {  	[sflag:s23] =	ssyncset.done $0x0  }
0xa4: {  	s25 =	simm.s32 $0x1B8E;
	s24 =	sld [smem:$0x3FFE];
	[sflag:s23] =	ssyncadd.s32 $0xFFFFFFFF  }
0xa5: {  	s26 =	simm.s32 $execute0_lowered;
	[smem:$0x3FD2] =	sst s25  }
0xa6: {  	s4 =	sshll.u32 s26, $0x1;
	_ =	strace $0x8000004C;
	[dreg:$0x1] =	wrdreg $0xFFFFFFFF  }
0xa7: {  	s28 =	simm.s32 $_size_execute0_lowered;
	s2 =	sadd.s32 s2, s4;
	[dreg:$0x0] =	wrdreg $0x0  }
0xa8: {  	s4 =	sshll.u32 s28, $0x1;
	[dreg:$0x2] =	wrdreg s2  }
0xa9: {  	[dreg:$0x3] =	wrdreg s4  }
0xaa: {  	[dreg:$0x4] =	wrdreg $0xC0  }
0xab: {  	_ =	task [dreg:s6], $0x5FFFF  }
0xac: {  	[dreg:$0x1] =	wrdreg $0xFFFFFFFF  }
0xad: {  	[dreg:$0x0] =	wrdreg $0x60  }
0xae: {  	[dreg:$0x2] =	wrdreg s24  }
0xaf: {  	[dreg:$0x3] =	wrdreg $0x98000  }
0xb0: {  	[dreg:$0x4] =	wrdreg $0x9  }
0xb1: {  	_ =	task.clear_ibuf [dreg:s6], $0x5FFFF;
	_ =	strace $0x9000004C  }
0xb2: {  	s29 =	simm.s32 $0x9;
	_ =	strace $0x8000004E  }
0xb3: {  	_ =	swait.ge [sflag:s29], $0x1  }
0xb4: {  	[sflag:s29] =	ssyncadd.s32 $0xFFFFFFFF  }
0xb5: {  	_ =	strace $0x9000004E  }
0xb6: {  	_ =	sfence  }
0xb7: {  	s30 =	sld [smem:$0x0];
	_ =	sdelay $0x2  }
0xb8: {  	s31 =	sshll.u32 s1, $0xD;
	s1 =	sshrl.u32 s1, $0x2  }
0xb9: {  	s3 =	sand.u32 $0x4000, s31;
	s1 =	sadd.s32 s1, s30  }
0xba: {  	s0 =	sor.u32 s3, s0;
	s1 =	sshll.u32 s1, $0x11  }
0xbb: {  	s0 =	sor.u32 s1, s0  }
0xbc: {  	s0 =	sadd.s32 $0x8F2B, s0  }
0xbd: {  	[sflag:s0] =	ssyncadd.remote.s32 $0x1  }
0xbe: {  	_ =	sfence.sel $0xFFFF  }
0xbf: {  	[dreg:$0x0] =	wrdreg $0xFFFFFFFF;
	(pc) =	sbr.abs _section_cstart, $3  }
0xc0: {  	[dreg:$0x1] =	wrdreg $0xFFFFFFFF  }
0xc1: {  	_ =	task.clear_ibuf [dreg:s6], $0x2FFFF;
	_ =	strace $0x9FFFFFFF  }
0xc2: {  	(tm) =	ssettm $0x7FFFFFFF  }
0xc3: {  	_ =	shalt  }
tec
execute0_lowered:
.L_overlay_start_1:
0x0: {  	(tag) =	ssettag $0x1  }
0x1: {  	s6 =	rddreg [dreg:$0x0]  }
0x2: {  	s0 =	srdreg.scid;
	s2 =	rddreg [dreg:$0x1];
	s3 =	simm.s32 $0x0  }
0x3: {  	s14 =	simm.s32 $0x60;
	s15 =	simm.s32 $0x3800;
	s16 =	simm.s32 $0x6800  }
0x4: {  	s17 =	simm.s32 $0x1;
	s18 =	simm.s32 $0x2;
	s19 =	simm.s32 $0x1A80  }
0x5: {  	s20 =	simm.s32 $0x3600;
	s5 =	sand.u32 $0x1, s0;
	s0 =	stileid.u32  }
0x6: {  	s21 =	simm.s32 $0x3680;
	s22 =	simm.s32 $0x0;
	s8 =	smul.u32 $0x13C00, s0  }
0x7: {  	[smem:$0x7FF] =	sst s3;
	s4 =	sadd.s32 $0x32000, s6;
	s9 =	smul.u32 $0x13C000, s5  }
0x8: {  	s1 =	sshll.u32 s5, $0x4;
	s28 =	smul.u32 $0x4F000, s0;
	s5 =	ssub.s32 $0x2, s5  }
0x9: {  	s31 =	sshll.u32 s0, $0x6;
	s1 =	sor.u32 s0, s1;
	s29 =	sshrl.u32 s5, $0x1  }
0xa: {  	s7 =	smul.u32 $0x380, s1;
	s1 =	rddreg [dreg:$0x2];
	_ =	strace $0x8000004D  }
0xb: {  	s26 =	sshrl.u32 s8, $0x3;
	s8 =	sadd.s32 s8, s9;
	s30 =	sshrl.u32 s28, $0x2  }
0xc: {  	s12 =	ssub.s32 s5, s29;
	s8 =	sshrl.u32 s8, $0x3;
	s13 =	sadd.s32 s30, s2  }
0xd: {  	s10 =	sadd.s32 s7, s6;
	s7 =	sadd.s32 s26, s6;
	s11 =	sadd.s32 s8, s6  }
0xe: {  	s6 =	sor.u32 $0x1C03, s31;
	s5 =	sadd.s32 $0xA800, s7;
	s7 =	sadd.s32 $0xE5600, s10  }
0xf: {  	s8 =	sadd.s32 $0x3800, s10;
	s9 =	sadd.s32 $0x59200, s11;
	s10 =	smax.u32 s12, $0x1  }
0x10: {  	s11 =	sshrl.u32 s13, $0x3;
	s12 =	simm.s32 $0x3;
	s13 =	simm.s32 $0x1C00  }
.LBB2_1:
0x11: {  	[spmem:s11], [sflag:s6] =	dma.local [hbm:s5], $0x2780  }
0x12: {  	_ =	swait.ge [sflag:s12], $0x2780  }
0x13: {  	[sflag:s12] =	ssyncset.done $0x0  }
0x14: {  	[sflag:s12] =	ssyncadd.s32 $0xFFFFD880  }
0x15: {  	[tilespmem:s3], [sflag:$0x3] =	stream.linear.gather [hbm4b:s7+s3], $0x1B00, $0x38;
	[tilespmem:$0x1D400] =	vst v63  }
0x16: {  	_ =	swait.ge [sflag:s12], $0x1B00  }
0x17: {  	[sflag:s12] =	ssyncset.done $0x0  }
0x18: {  	[sflag:s12] =	ssyncadd.s32 $0xFFFFE500  }
0x19: {  	[tilespmem:s13], [sflag:$0x3] =	stream.linear.gather [hbm4b:s8+s3], $0x1B00, $0x38;
	[tilespmem:$0x1D400] =	vst v63  }
0x1a: {  	_ =	swait.ge [sflag:s12], $0x1B00  }
0x1b: {  	[sflag:s12] =	ssyncset.done $0x0  }
0x1c: {  	[sflag:s12] =	ssyncadd.s32 $0xFFFFE500  }
0x1d: {  	[bflag:$0x0] =	sbarrier.arrive $0xFFFF  }
0x1e: {  	[tilespmem:s15], [sflag:$0x1] =	stream.indirect.gather [hbm4b:s4+s14], $0x80, s3, s14, $0xb8;
	[tilespmem:$0x1D400] =	vst v63  }
0x1f: {  	s23 =	simm.s32 $0x80  }
0x20: {  	[tilespmem:s16], [sflag:$0x2] =	stream.indirect.gather [hbm4b:s4+s14], $0x80, s23, s14, $0xb8;
	[tilespmem:$0x1D400] =	vst v63  }
0x21: {  	_ =	swait.ge [sflag:s17], $0x3000  }
0x22: {  	[sflag:s17] =	ssyncset.done $0x0  }
0x23: {  	s29 =	simm.s32 $0x1C00;
	[sflag:s17] =	ssyncadd.s32 $0xFFFFD000  }
0x24: {  	[spmem:s2] =	stream.indirect.scatter.add.f32 [tilespmem:s15], [sflag:$0x3], $0x80, s29, s14, $0xb8;
	[tilespmem:$0x1D400] =	vst v63  }
0x25: {  	_ =	swait.ge [sflag:s12], $0x3000  }
0x26: {  	[sflag:s12] =	ssyncset.done $0x0  }
0x27: {  	s30 =	simm.s32 $0x100;
	[sflag:s12] =	ssyncadd.s32 $0xFFFFD000  }
0x28: {  	[tilespmem:s15], [sflag:$0x1] =	stream.indirect.gather [hbm4b:s4+s14], $0x80, s30, s14, $0xb8;
	[tilespmem:$0x1D400] =	vst v63  }
0x29: {  	_ =	swait.ge [sflag:s18], $0x3000  }
0x2a: {  	[sflag:s18] =	ssyncset.done $0x0  }
0x2b: {  	s31 =	simm.s32 $0x1C80;
	[sflag:s18] =	ssyncadd.s32 $0xFFFFD000  }
0x2c: {  	[spmem:s2] =	stream.indirect.scatter.add.f32 [tilespmem:s16], [sflag:$0x3], $0x80, s31, s14, $0xb8;
	[tilespmem:$0x1D400] =	vst v63  }
0x2d: {  	_ =	swait.ge [sflag:s12], $0x3000  }
0x2e: {  	s24 =	simm.s32 $0x800;
	s23 =	simm.s32 $0x100;
	[sflag:s12] =	ssyncset.done $0x0  }
.LBB2_2:
0x2f: {  	s25 =	sadd.s32 $0x80, s23  }
0x30: {  	[sflag:s12] =	ssyncadd.s32 $0xFFFFD000;
	s26 =	smov.u32 s24;
	s28 =	sadd.s32 $0x400, s24  }
0x31: {  	[tilespmem:s16], [sflag:$0x2] =	stream.indirect.gather [hbm4b:s4+s14], $0x80, s25, s14, $0xb8;
	[tilespmem:$0x1D400] =	vst v63  }
0x32: {  	p0 =	sne.s32 s24, $0x6400;
	_ =	swait.ge [sflag:s17], $0x3000  }
0x33: {  	[sflag:s17] =	ssyncset.done $0x0  }
0x34: {  	s24 =	sadd.s32 $0x1C00, s23;
	[sflag:s17] =	ssyncadd.s32 $0xFFFFD000  }
0x35: {  	[spmem:s2] =	stream.indirect.scatter.add.f32 [tilespmem:s15], [sflag:$0x3], $0x80, s24, s14, $0xb8;
	[tilespmem:$0x1D400] =	vst v63  }
0x36: {  	_ =	swait.ge [sflag:s12], $0x3000  }
0x37: {  	[sflag:s12] =	ssyncset.done $0x0  }
0x38: {  	s24 =	sadd.s32 $0x100, s23;
	[sflag:s12] =	ssyncadd.s32 $0xFFFFD000  }
0x39: {  	[tilespmem:s15], [sflag:$0x1] =	stream.indirect.gather [hbm4b:s4+s14], $0x80, s24, s14, $0xb8;
	[tilespmem:$0x1D400] =	vst v63  }
0x3a: {  	_ =	swait.ge [sflag:s18], $0x3000  }
.Ltmp0:
0x3b: {  	[sflag:s18] =	ssyncset.done $0x0;
	(pc) =	sbr.rel @p0 .LBB2_2-.Ltmp0, $4  }
0x3c: {  	s23 =	sadd.s32 $0x1C80, s23;
	[sflag:s18] =	ssyncadd.s32 $0xFFFFD000  }
0x3d: {  	[spmem:s2] =	stream.indirect.scatter.add.f32 [tilespmem:s16], [sflag:$0x3], $0x80, s23, s14, $0xb8;
	[tilespmem:$0x1D400] =	vst v63  }
0x3e: {  	_ =	swait.ge [sflag:s12], $0x3000  }
0x3f: {  	s24 =	smov.u32 s28;
	s23 =	sshra.s32 s26, $0x2;
	[sflag:s12] =	ssyncset.done $0x0  }
0x40: {  	s24 =	sadd.s32 $0x80, s23;
	[sflag:s12] =	ssyncadd.s32 $0xFFFFD000  }
0x41: {  	[tilespmem:s16], [sflag:$0x2] =	stream.indirect.gather [hbm4b:s4+s14], $0x80, s24, s14, $0xb8;
	[tilespmem:$0x1D400] =	vst v63  }
0x42: {  	_ =	swait.ge [sflag:s17], $0x3000  }
0x43: {  	[sflag:s17] =	ssyncset.done $0x0  }
0x44: {  	s29 =	sadd.s32 $0x1C00, s23;
	[sflag:s17] =	ssyncadd.s32 $0xFFFFD000  }
0x45: {  	[spmem:s2] =	stream.indirect.scatter.add.f32 [tilespmem:s15], [sflag:$0x3], $0x80, s29, s14, $0xb8;
	[tilespmem:$0x1D400] =	vst v63  }
0x46: {  	_ =	swait.ge [sflag:s12], $0x3000  }
0x47: {  	[sflag:s12] =	ssyncset.done $0x0  }
0x48: {  	s30 =	sadd.s32 $0x100, s23;
	[sflag:s12] =	ssyncadd.s32 $0xFFFFD000  }
0x49: {  	[tilespmem:s15], [sflag:$0x1] =	stream.indirect.gather [hbm4b:s4+s14], $0x80, s30, s14, $0xb8;
	[tilespmem:$0x1D400] =	vst v63  }
0x4a: {  	_ =	swait.ge [sflag:s18], $0x3000  }
0x4b: {  	[sflag:s18] =	ssyncset.done $0x0  }
0x4c: {  	s31 =	sadd.s32 $0x1C80, s23;
	[sflag:s18] =	ssyncadd.s32 $0xFFFFD000  }
0x4d: {  	[spmem:s2] =	stream.indirect.scatter.add.f32 [tilespmem:s16], [sflag:$0x3], $0x80, s31, s14, $0xb8;
	[tilespmem:$0x1D400] =	vst v63  }
0x4e: {  	_ =	swait.ge [sflag:s12], $0x3000  }
0x4f: {  	[sflag:s12] =	ssyncset.done $0x0  }
0x50: {  	[sflag:s12] =	ssyncadd.s32 $0xFFFFD000  }
0x51: {  	[tilespmem:s16], [sflag:$0x2] =	stream.indirect.gather [hbm4b:s4+s14], $0x80, s19, s14, $0xb8;
	[tilespmem:$0x1D400] =	vst v63  }
0x52: {  	_ =	swait.ge [sflag:s17], $0x3000  }
0x53: {  	[sflag:s17] =	ssyncset.done $0x0  }
0x54: {  	[sflag:s17] =	ssyncadd.s32 $0xFFFFD000  }
0x55: {  	[spmem:s2] =	stream.indirect.scatter.add.f32 [tilespmem:s15], [sflag:$0x3], $0x80, s20, s14, $0xb8;
	[tilespmem:$0x1D400] =	vst v63  }
0x56: {  	_ =	swait.ge [sflag:s12], $0x3000  }
0x57: {  	[sflag:s12] =	ssyncset.done $0x0  }
0x58: {  	[sflag:s12] =	ssyncadd.s32 $0xFFFFD000  }
0x59: {  	_ =	swait.ge [sflag:s18], $0x3000  }
0x5a: {  	[sflag:s18] =	ssyncset.done $0x0  }
0x5b: {  	[sflag:s18] =	ssyncadd.s32 $0xFFFFD000  }
0x5c: {  	[spmem:s2] =	stream.indirect.scatter.add.f32 [tilespmem:s16], [sflag:$0x3], $0x80, s21, s14, $0xb8;
	[tilespmem:$0x1D400] =	vst v63  }
0x5d: {  	_ =	swait.ge [sflag:s12], $0x3000  }
0x5e: {  	s22 =	sadd.s32 $0x1, s22;
	[sflag:s12] =	ssyncset.done $0x0  }
0x5f: {  	p0 =	sne.s32 s22, s10;
	[sflag:s12] =	ssyncadd.s32 $0xFFFFD000  }
.Ltmp1:
0x60: {  	[bflag:$0x0] =	sbarrier.arrive $0xFFFF;
	(pc) =	sbr.rel @p0 .LBB2_1-.Ltmp1, $4  }
0x61: {  	[hbm:s9], [sflag:s6] =	dma.local [spmem:s11], $0x2780  }
0x62: {  	_ =	swait.ge [sflag:s12], $0x2780  }
0x63: {  	[sflag:s12] =	ssyncset.done $0x0  }
0x64: {  	[sflag:s12] =	ssyncadd.s32 $0xFFFFD880  }
0x65: {  	_ =	sfence.sel $0x180000  }
0x66: {  	[bflag:$0x0] =	sbarrier.arrive $0xFFFF  }
0x67: {  	p0 =	sne.s32 s0, $0x0;
	_ =	strace $0x9000004D  }
0x68: {  	s0 =	sadd.s32 @!p0 $0x100000, s1;
	[bflag:$0x2] =	sbarrier.arrive $0xFFFF  }
0x69: {  	[sflag:s0] =	ssyncadd.tile.s32 @!p0 $0x1;
	_ =	shalt  }
.Lfunc_end2:
_tile_overlayer_lowered:
.L_overlay_start_2:
0x6a: {  	(tag) =	ssettag $0x2  }
0x6b: {  	s0 =	rddreg [dreg:$0x0];
	s2 =	stileid.u32  }
0x6c: {  	s1 =	rddreg [dreg:$0x1];
	p0 =	sne.s32 s2, $0x0  }
0x6d: {  	s3 =	rddreg [dreg:$0x2];
	[bflag:$0x3] =	sbarrier.arrive $0xFFFF;
	s2 =	simm.s32 @!p0 $0x1C03  }
0x6e: {  	[timem:s3], [sflag:s2] =	dma.local @!p0 [hbm:s0], s1  }
0x6f: {  	s0 =	simm.s32 @!p0 $0x3  }
0x70: {  	_ =	swait.ge @!p0 [sflag:s0], s1  }
0x71: {  	s1 =	ssub.s32 @!p0 $0x0, s1;
	[sflag:s0] =	ssyncset.done @!p0 $0x0  }
0x72: {  	[sflag:s0] =	ssyncadd.s32 @!p0 s1  }
0x73: {  	[bflag:$0x3] =	sbarrier.arrive $0xFFFF  }
0x74: {  	_ =	shalt  }

</sc_bundles>
